<compile_context>
chip_gen: v7x
topology: tpu7x:2x2x1
jax: 0.10.2.dev20260603
libtpu: 0.0.44.dev20260713+nightly
codegen_flags: <defaults>
</compile_context>

<pallas_src>
import functools

import jax
import jax.numpy as jnp
from jax import lax
from jax.experimental import pallas as pl
from jax.experimental.pallas import tpu as pltpu
from jax.experimental.pallas import tpu_sc as plsc

M = 500000
K = 250000
NC = 2
NS = 16
NW = NC * NS
HALF = M // NC

PZ = ((M + NS - 1) // NS + 127) // 128 * 128
PK = ((K + NS - 1) // NS + 127) // 128 * 128
PH = ((HALF + NS - 1) // NS + 7) // 8 * 8
PP = ((M + NW - 1) // NW + 15) // 16 * 16
REP = 245
assert NS * PZ >= M and (M - PZ) % 8 == 0
assert NS * PK >= K and (K - PK) % 8 == 0
assert NS * PH >= HALF and (HALF - PH) % 8 == 0
assert NW * PP >= M and (M - PP) % 8 == 0
assert PZ % (16 * REP) == 0 and PP % 8 == 0
NREP_Z = PZ // (16 * REP)
assert PP % (16 * REP) == 0 or PP < 16 * REP or True


@functools.partial(
    pl.kernel,
    out_type=(
        jax.ShapeDtypeStruct((M,), jnp.float32),
        jax.ShapeDtypeStruct((M,), jnp.float32),
        jax.ShapeDtypeStruct((M,), jnp.float32),
    ),
    mesh=plsc.VectorSubcoreMesh(
        core_axis_name="c", subcore_axis_name="s", num_cores=NC, num_subcores=NS
    ),
    scratch_types=[
        pltpu.VMEM_SHARED((M,), jnp.float32),
        pltpu.VMEM((PK,), jnp.int32),
        pltpu.VMEM((PK,), jnp.float32),
        pltpu.VMEM((16 * REP,), jnp.float32),
        pltpu.VMEM((16 * REP,), jnp.float32),
        pltpu.VMEM((PH,), jnp.float32),
        pltpu.SemaphoreType.DMA,
        pltpu.SemaphoreType.DMA,
        pltpu.SemaphoreType.DMA,
        pltpu.SemaphoreType.DMA,
        pltpu.SemaphoreType.DMA,
        pltpu.SemaphoreType.DMA,
    ],
)
def _edge_mask_sc(perm_ref, probs_ref, soft_ref, hard_ref, mask_sh,
                  idx_v, one_v, zero_v, half_v, out_v,
                  sem_i, sem_z, sem_s, sem_p, sem_h, sem_h2):
    c = lax.axis_index("c")
    s = lax.axis_index("s")

    kbase = jnp.minimum(s * PK, K - PK)
    load = pltpu.async_copy(perm_ref.at[pl.ds(kbase, PK)], idx_v, sem_i)

    one = jnp.full((16,), 1.0, jnp.float32)
    zero = jnp.full((16,), 0.0, jnp.float32)
    half = jnp.full((16,), 0.5, jnp.float32)

    def fill_zero(i, _):
        zero_v[pl.ds(i * 16, 16)] = zero
        return 0

    lax.fori_loop(0, REP, fill_zero, 0, unroll=8)

    zbase = jnp.minimum(s * PZ, M - PZ)
    zcopies = [
        pltpu.async_copy(
            zero_v, mask_sh.at[pl.ds(zbase + j * 16 * REP, 16 * REP)], sem_z
        )
        for j in range(NREP_Z)
    ]

    def fill_half(i, _):
        half_v[pl.ds(i * 16, 16)] = half
        return 0

    lax.fori_loop(0, REP, fill_half, 0, unroll=8)

    def fill_one(i, _):
        one_v[pl.ds(i * 16, 16)] = one
        return 0

    lax.fori_loop(0, PK // 16, fill_one, 0, unroll=8)

    w = s * NC + c
    pbase = jnp.minimum(w * PP, M - PP)
    pcopies = []
    off = 0
    while off < PP:
        n = min(16 * REP, PP - off)
        pcopies.append(
            pltpu.async_copy(
                half_v.at[pl.ds(0, n)], probs_ref.at[pl.ds(pbase + off, n)],
                sem_p,
            )
        )
        off += n

    for zc in zcopies:
        zc.wait()
    plsc.subcore_barrier()
    plsc.subcore_barrier()

    load.wait()
    scat = pltpu.async_copy(one_v, mask_sh.at[idx_v], sem_s)
    scat.wait()
    plsc.subcore_barrier()
    plsc.subcore_barrier()

    hbase = c * HALF + jnp.minimum(s * PH, HALF - PH)
    H2 = PH // 2
    pltpu.sync_copy(mask_sh.at[pl.ds(hbase, H2)], out_v.at[pl.ds(0, H2)])
    out_h0 = pltpu.async_copy(
        out_v.at[pl.ds(0, H2)], hard_ref.at[pl.ds(hbase, H2)], sem_h
    )
    out_s0 = pltpu.async_copy(
        out_v.at[pl.ds(0, H2)], soft_ref.at[pl.ds(hbase, H2)], sem_h2
    )
    pltpu.sync_copy(
        mask_sh.at[pl.ds(hbase + H2, PH - H2)], out_v.at[pl.ds(H2, PH - H2)]
    )
    out_h1 = pltpu.async_copy(
        out_v.at[pl.ds(H2, PH - H2)], hard_ref.at[pl.ds(hbase + H2, PH - H2)],
        sem_h,
    )
    out_s1 = pltpu.async_copy(
        out_v.at[pl.ds(H2, PH - H2)], soft_ref.at[pl.ds(hbase + H2, PH - H2)],
        sem_h2,
    )
    for cp in pcopies:
        cp.wait()
    out_h0.wait()
    out_s0.wait()
    out_h1.wait()
    out_s1.wait()


def kernel(x, perm):
    del x
    probs, soft, hard = _edge_mask_sc(perm.astype(jnp.int32))
    return probs, soft, hard

# --- scband reference (transcript-rebuilt; emitter-appended) ---
"""Pipeline reference for scband-random-edge-mask-45921790329382 (READ-ONLY COPY).

The authoritative reference and input builder live on the scoring server;
editing this copy changes nothing except your own understanding.
"""

import jax, jax.numpy as jnp
import numpy as np

M = 500000
N_NODES = 100000
D_FEAT = 128
KEEP_RATIO = 0.5

def setup_inputs(seed: int = 0) -> dict:
    key = jax.random.key(seed)
    k1, k2 = jax.random.split(key)
    x = jax.random.normal(k1, (N_NODES, D_FEAT), dtype=jnp.float32)
    # torch.randperm(m) equivalent: a fixed random permutation of hyperedge ids
    perm = jax.random.permutation(k2, M).astype(jnp.int64)
    return {"x": x, "perm": perm}

def reference(x, perm):
    m = perm.shape[0]
    k = max(1, int(KEEP_RATIO * m))
    # probs = ones(m) * keep_ratio  (depends on x only via device in torch)
    probs = jnp.ones((m,), dtype=x.dtype) * KEEP_RATIO
    keep_e = perm[:k]
    hard = jnp.zeros_like(probs).at[keep_e].set(1.0)
    # straight-through: soft = (hard - probs).detach() + probs
    soft = jax.lax.stop_gradient(hard - probs) + probs
    return (probs, soft, hard)

if __name__ == "__main__":
    import jax
    _d = setup_inputs()
    print(jax.jit(kernel)(*tuple(_d.values())))

</pallas_src>

<mosaic_0001>
#map = affine_map<(d0, d1) -> (0)>
module attributes {stable_mosaic.version = 14 : i64} {
  func.func @_edge_mask_sc(%arg0: i32, %arg1: i32, %arg2: memref<500000xi32, #tpu.memory_space<hbm>>, %arg3: memref<500000xf32, #tpu.memory_space<hbm>>, %arg4: memref<500000xf32, #tpu.memory_space<hbm>>, %arg5: memref<500000xf32, #tpu.memory_space<hbm>>, %arg6: memref<500000xf32, #tpu.memory_space<vmem_shared>>, %arg7: memref<15744xi32, #tpu.memory_space<vmem>>, %arg8: memref<15744xf32, #tpu.memory_space<vmem>>, %arg9: memref<3920xf32, #tpu.memory_space<vmem>>, %arg10: memref<3920xf32, #tpu.memory_space<vmem>>, %arg11: memref<15632xf32, #tpu.memory_space<vmem>>, %arg12: memref<!tpu.dma_semaphore, #tpu.memory_space<semaphore_mem>>, %arg13: memref<!tpu.dma_semaphore, #tpu.memory_space<semaphore_mem>>, %arg14: memref<!tpu.dma_semaphore, #tpu.memory_space<semaphore_mem>>, %arg15: memref<!tpu.dma_semaphore, #tpu.memory_space<semaphore_mem>>, %arg16: memref<!tpu.dma_semaphore, #tpu.memory_space<semaphore_mem>>, %arg17: memref<!tpu.dma_semaphore, #tpu.memory_space<semaphore_mem>>) attributes {dimension_semantics = [#tpu.dimension_semantics<core_parallel>, #tpu.dimension_semantics<subcore_parallel>], iteration_bounds = array<i64: 2, 16>, scalar_prefetch = 0 : i64, scratch_operands = 12 : i64, tpu.core_type = #tpu.core_type<sc_vector_subcore>, window_params = [{transform_indices = #map}, {transform_indices = #map}, {transform_indices = #map}, {transform_indices = #map}]} {
    %mul3A = arith.constant 15744 : i32
    %mul3A_0 = arith.muli %arg1, %mul3A : i32
    %min3A = arith.constant 234256 : i32
    %min3A_1 = arith.minsi %mul3A_0, %min3A : i32
    %dma_start3A = tpu.memref_slice %arg2[%min3A_1] : memref<500000xi32, #tpu.memory_space<hbm>> -> memref<15744xi32, #tpu.memory_space<hbm>>
    %dma_start3A_2 = tpu.memref_slice %arg2[%min3A_1] : memref<500000xi32, #tpu.memory_space<hbm>> -> memref<15744xi32, #tpu.memory_space<hbm>>
    tpu.enqueue_dma source(%dma_start3A_2 : memref<15744xi32, #tpu.memory_space<hbm>>) target(%arg7 : memref<15744xi32, #tpu.memory_space<vmem>>) target_semaphore(%arg12 : memref<!tpu.dma_semaphore, #tpu.memory_space<semaphore_mem>>)
    %broadcast_in_dim3A = arith.constant 1.000000e+00 : f32
    %broadcast_in_dim3A_3 = vector.broadcast %broadcast_in_dim3A : f32 to vector<16xf32>
    %broadcast_in_dim3A_4 = arith.constant 0.000000e+00 : f32
    %broadcast_in_dim3A_5 = vector.broadcast %broadcast_in_dim3A_4 : f32 to vector<16xf32>
    %broadcast_in_dim3A_6 = arith.constant 5.000000e-01 : f32
    %broadcast_in_dim3A_7 = vector.broadcast %broadcast_in_dim3A_6 : f32 to vector<16xf32>
    %scan3A = arith.constant 0 : i32
    %scan3A_8 = arith.constant 0 : i32
    %scan3A_9 = arith.constant 240 : i32
    %scan3A_10 = arith.addi %scan3A_8, %scan3A_9 : i32
    %scan3A_11 = arith.constant 8 : i32
    %scan3A_12 = scf.for %scan3A_300 = %scan3A_8 to %scan3A_10 step %scan3A_11 iter_args(%scan3A_301 = %scan3A) -> (i32)  : i32 {
      %mul3A_302 = arith.constant 16 : i32
      %mul3A_303 = arith.muli %scan3A_300, %mul3A_302 : i32
      %swap3A_304 = arith.index_cast %mul3A_303 : i32 to index
      %swap3A_305 = tpu.vector_load %arg9[%swap3A_304] {strides = array<i32>} : memref<3920xf32, #tpu.memory_space<vmem>>, vector<16xf32>,
      %swap3A_306 = vector.shape_cast %swap3A_305 : vector<16xf32> to vector<16xf32>
      %swap3A_307 = vector.shape_cast %broadcast_in_dim3A_5 : vector<16xf32> to vector<16xf32>
      tpu.vector_store %arg9[%swap3A_304], %swap3A_307 {strides = array<i32>} : memref<3920xf32, #tpu.memory_space<vmem>>, vector<16xf32>,
      %scan3A_308 = arith.constant 0 : i32
      %scan3A_309 = arith.constant 1 : i32
      %scan3A_310 = arith.addi %scan3A_300, %scan3A_309 : i32
      %mul3A_311 = arith.constant 16 : i32
      %mul3A_312 = arith.muli %scan3A_310, %mul3A_311 : i32
      %swap3A_313 = arith.index_cast %mul3A_312 : i32 to index
      %swap3A_314 = tpu.vector_load %arg9[%swap3A_313] {strides = array<i32>} : memref<3920xf32, #tpu.memory_space<vmem>>, vector<16xf32>,
      %swap3A_315 = vector.shape_cast %swap3A_314 : vector<16xf32> to vector<16xf32>
      %swap3A_316 = vector.shape_cast %broadcast_in_dim3A_5 : vector<16xf32> to vector<16xf32>
      tpu.vector_store %arg9[%swap3A_313], %swap3A_316 {strides = array<i32>} : memref<3920xf32, #tpu.memory_space<vmem>>, vector<16xf32>,
      %scan3A_317 = arith.constant 0 : i32
      %scan3A_318 = arith.constant 2 : i32
      %scan3A_319 = arith.addi %scan3A_300, %scan3A_318 : i32
      %mul3A_320 = arith.constant 16 : i32
      %mul3A_321 = arith.muli %scan3A_319, %mul3A_320 : i32
      %swap3A_322 = arith.index_cast %mul3A_321 : i32 to index
      %swap3A_323 = tpu.vector_load %arg9[%swap3A_322] {strides = array<i32>} : memref<3920xf32, #tpu.memory_space<vmem>>, vector<16xf32>,
      %swap3A_324 = vector.shape_cast %swap3A_323 : vector<16xf32> to vector<16xf32>
      %swap3A_325 = vector.shape_cast %broadcast_in_dim3A_5 : vector<16xf32> to vector<16xf32>
      tpu.vector_store %arg9[%swap3A_322], %swap3A_325 {strides = array<i32>} : memref<3920xf32, #tpu.memory_space<vmem>>, vector<16xf32>,
      %scan3A_326 = arith.constant 0 : i32
      %scan3A_327 = arith.constant 3 : i32
      %scan3A_328 = arith.addi %scan3A_300, %scan3A_327 : i32
      %mul3A_329 = arith.constant 16 : i32
      %mul3A_330 = arith.muli %scan3A_328, %mul3A_329 : i32
      %swap3A_331 = arith.index_cast %mul3A_330 : i32 to index
      %swap3A_332 = tpu.vector_load %arg9[%swap3A_331] {strides = array<i32>} : memref<3920xf32, #tpu.memory_space<vmem>>, vector<16xf32>,
      %swap3A_333 = vector.shape_cast %swap3A_332 : vector<16xf32> to vector<16xf32>
      %swap3A_334 = vector.shape_cast %broadcast_in_dim3A_5 : vector<16xf32> to vector<16xf32>
      tpu.vector_store %arg9[%swap3A_331], %swap3A_334 {strides = array<i32>} : memref<3920xf32, #tpu.memory_space<vmem>>, vector<16xf32>,
      %scan3A_335 = arith.constant 0 : i32
      %scan3A_336 = arith.constant 4 : i32
      %scan3A_337 = arith.addi %scan3A_300, %scan3A_336 : i32
      %mul3A_338 = arith.constant 16 : i32
      %mul3A_339 = arith.muli %scan3A_337, %mul3A_338 : i32
      %swap3A_340 = arith.index_cast %mul3A_339 : i32 to index
      %swap3A_341 = tpu.vector_load %arg9[%swap3A_340] {strides = array<i32>} : memref<3920xf32, #tpu.memory_space<vmem>>, vector<16xf32>,
      %swap3A_342 = vector.shape_cast %swap3A_341 : vector<16xf32> to vector<16xf32>
      %swap3A_343 = vector.shape_cast %broadcast_in_dim3A_5 : vector<16xf32> to vector<16xf32>
      tpu.vector_store %arg9[%swap3A_340], %swap3A_343 {strides = array<i32>} : memref<3920xf32, #tpu.memory_space<vmem>>, vector<16xf32>,
      %scan3A_344 = arith.constant 0 : i32
      %scan3A_345 = arith.constant 5 : i32
      %scan3A_346 = arith.addi %scan3A_300, %scan3A_345 : i32
      %mul3A_347 = arith.constant 16 : i32
      %mul3A_348 = arith.muli %scan3A_346, %mul3A_347 : i32
      %swap3A_349 = arith.index_cast %mul3A_348 : i32 to index
      %swap3A_350 = tpu.vector_load %arg9[%swap3A_349] {strides = array<i32>} : memref<3920xf32, #tpu.memory_space<vmem>>, vector<16xf32>,
      %swap3A_351 = vector.shape_cast %swap3A_350 : vector<16xf32> to vector<16xf32>
      %swap3A_352 = vector.shape_cast %broadcast_in_dim3A_5 : vector<16xf32> to vector<16xf32>
      tpu.vector_store %arg9[%swap3A_349], %swap3A_352 {strides = array<i32>} : memref<3920xf32, #tpu.memory_space<vmem>>, vector<16xf32>,
      %scan3A_353 = arith.constant 0 : i32
      %scan3A_354 = arith.constant 6 : i32
      %scan3A_355 = arith.addi %scan3A_300, %scan3A_354 : i32
      %mul3A_356 = arith.constant 16 : i32
      %mul3A_357 = arith.muli %scan3A_355, %mul3A_356 : i32
      %swap3A_358 = arith.index_cast %mul3A_357 : i32 to index
      %swap3A_359 = tpu.vector_load %arg9[%swap3A_358] {strides = array<i32>} : memref<3920xf32, #tpu.memory_space<vmem>>, vector<16xf32>,
      %swap3A_360 = vector.shape_cast %swap3A_359 : vector<16xf32> to vector<16xf32>
      %swap3A_361 = vector.shape_cast %broadcast_in_dim3A_5 : vector<16xf32> to vector<16xf32>
      tpu.vector_store %arg9[%swap3A_358], %swap3A_361 {strides = array<i32>} : memref<3920xf32, #tpu.memory_space<vmem>>, vector<16xf32>,
      %scan3A_362 = arith.constant 0 : i32
      %scan3A_363 = arith.constant 7 : i32
      %scan3A_364 = arith.addi %scan3A_300, %scan3A_363 : i32
      %mul3A_365 = arith.constant 16 : i32
      %mul3A_366 = arith.muli %scan3A_364, %mul3A_365 : i32
      %swap3A_367 = arith.index_cast %mul3A_366 : i32 to index
      %swap3A_368 = tpu.vector_load %arg9[%swap3A_367] {strides = array<i32>} : memref<3920xf32, #tpu.memory_space<vmem>>, vector<16xf32>,
      %swap3A_369 = vector.shape_cast %swap3A_368 : vector<16xf32> to vector<16xf32>
      %swap3A_370 = vector.shape_cast %broadcast_in_dim3A_5 : vector<16xf32> to vector<16xf32>
      tpu.vector_store %arg9[%swap3A_367], %swap3A_370 {strides = array<i32>} : memref<3920xf32, #tpu.memory_space<vmem>>, vector<16xf32>,
      %scan3A_371 = arith.constant 0 : i32
      scf.yield %scan3A_371 : i32
    }
    %scan3A_13 = arith.constant 240 : i32
    %scan3A_14 = arith.addi %scan3A_8, %scan3A_13 : i32
    %mul3A_15 = arith.constant 16 : i32
    %mul3A_16 = arith.muli %scan3A_14, %mul3A_15 : i32
    %swap3A = arith.index_cast %mul3A_16 : i32 to index
    %swap3A_17 = tpu.vector_load %arg9[%swap3A] {strides = array<i32>} : memref<3920xf32, #tpu.memory_space<vmem>>, vector<16xf32>,
    %swap3A_18 = vector.shape_cast %swap3A_17 : vector<16xf32> to vector<16xf32>
    %swap3A_19 = vector.shape_cast %broadcast_in_dim3A_5 : vector<16xf32> to vector<16xf32>
    tpu.vector_store %arg9[%swap3A], %swap3A_19 {strides = array<i32>} : memref<3920xf32, #tpu.memory_space<vmem>>, vector<16xf32>,
    %scan3A_20 = arith.constant 0 : i32
    %scan3A_21 = arith.constant 241 : i32
    %scan3A_22 = arith.addi %scan3A_8, %scan3A_21 : i32
    %mul3A_23 = arith.constant 16 : i32
    %mul3A_24 = arith.muli %scan3A_22, %mul3A_23 : i32
    %swap3A_25 = arith.index_cast %mul3A_24 : i32 to index
    %swap3A_26 = tpu.vector_load %arg9[%swap3A_25] {strides = array<i32>} : memref<3920xf32, #tpu.memory_space<vmem>>, vector<16xf32>,
    %swap3A_27 = vector.shape_cast %swap3A_26 : vector<16xf32> to vector<16xf32>
    %swap3A_28 = vector.shape_cast %broadcast_in_dim3A_5 : vector<16xf32> to vector<16xf32>
    tpu.vector_store %arg9[%swap3A_25], %swap3A_28 {strides = array<i32>} : memref<3920xf32, #tpu.memory_space<vmem>>, vector<16xf32>,
    %scan3A_29 = arith.constant 0 : i32
    %scan3A_30 = arith.constant 242 : i32
    %scan3A_31 = arith.addi %scan3A_8, %scan3A_30 : i32
    %mul3A_32 = arith.constant 16 : i32
    %mul3A_33 = arith.muli %scan3A_31, %mul3A_32 : i32
    %swap3A_34 = arith.index_cast %mul3A_33 : i32 to index
    %swap3A_35 = tpu.vector_load %arg9[%swap3A_34] {strides = array<i32>} : memref<3920xf32, #tpu.memory_space<vmem>>, vector<16xf32>,
    %swap3A_36 = vector.shape_cast %swap3A_35 : vector<16xf32> to vector<16xf32>
    %swap3A_37 = vector.shape_cast %broadcast_in_dim3A_5 : vector<16xf32> to vector<16xf32>
    tpu.vector_store %arg9[%swap3A_34], %swap3A_37 {strides = array<i32>} : memref<3920xf32, #tpu.memory_space<vmem>>, vector<16xf32>,
    %scan3A_38 = arith.constant 0 : i32
    %scan3A_39 = arith.constant 243 : i32
    %scan3A_40 = arith.addi %scan3A_8, %scan3A_39 : i32
    %mul3A_41 = arith.constant 16 : i32
    %mul3A_42 = arith.muli %scan3A_40, %mul3A_41 : i32
    %swap3A_43 = arith.index_cast %mul3A_42 : i32 to index
    %swap3A_44 = tpu.vector_load %arg9[%swap3A_43] {strides = array<i32>} : memref<3920xf32, #tpu.memory_space<vmem>>, vector<16xf32>,
    %swap3A_45 = vector.shape_cast %swap3A_44 : vector<16xf32> to vector<16xf32>
    %swap3A_46 = vector.shape_cast %broadcast_in_dim3A_5 : vector<16xf32> to vector<16xf32>
    tpu.vector_store %arg9[%swap3A_43], %swap3A_46 {strides = array<i32>} : memref<3920xf32, #tpu.memory_space<vmem>>, vector<16xf32>,
    %scan3A_47 = arith.constant 0 : i32
    %scan3A_48 = arith.constant 244 : i32
    %scan3A_49 = arith.addi %scan3A_8, %scan3A_48 : i32
    %mul3A_50 = arith.constant 16 : i32
    %mul3A_51 = arith.muli %scan3A_49, %mul3A_50 : i32
    %swap3A_52 = arith.index_cast %mul3A_51 : i32 to index
    %swap3A_53 = tpu.vector_load %arg9[%swap3A_52] {strides = array<i32>} : memref<3920xf32, #tpu.memory_space<vmem>>, vector<16xf32>,
    %swap3A_54 = vector.shape_cast %swap3A_53 : vector<16xf32> to vector<16xf32>
    %swap3A_55 = vector.shape_cast %broadcast_in_dim3A_5 : vector<16xf32> to vector<16xf32>
    tpu.vector_store %arg9[%swap3A_52], %swap3A_55 {strides = array<i32>} : memref<3920xf32, #tpu.memory_space<vmem>>, vector<16xf32>,
    %scan3A_56 = arith.constant 0 : i32
    %scan3A_57 = arith.constant 245 : i32
    %mul3A_58 = arith.constant 31360 : i32
    %mul3A_59 = arith.muli %arg1, %mul3A_58 : i32
    %min3A_60 = arith.constant 468640 : i32
    %min3A_61 = arith.minsi %mul3A_59, %min3A_60 : i32
    %add3A = arith.constant 0 : i32
    %add3A_62 = arith.addi %min3A_61, %add3A : i32
    %dma_start3A_63 = tpu.memref_slice %arg6[%add3A_62] : memref<500000xf32, #tpu.memory_space<vmem_shared>> -> memref<3920xf32, #tpu.memory_space<vmem_shared>>
    %dma_start3A_64 = tpu.memref_slice %arg6[%add3A_62] : memref<500000xf32, #tpu.memory_space<vmem_shared>> -> memref<3920xf32, #tpu.memory_space<vmem_shared>>
    tpu.enqueue_dma source(%arg9 : memref<3920xf32, #tpu.memory_space<vmem>>) target(%dma_start3A_64 : memref<3920xf32, #tpu.memory_space<vmem_shared>>) target_semaphore(%arg13 : memref<!tpu.dma_semaphore, #tpu.memory_space<semaphore_mem>>)
    %add3A_65 = arith.constant 3920 : i32
    %add3A_66 = arith.addi %min3A_61, %add3A_65 : i32
    %dma_start3A_67 = tpu.memref_slice %arg6[%add3A_66] : memref<500000xf32, #tpu.memory_space<vmem_shared>> -> memref<3920xf32, #tpu.memory_space<vmem_shared>>
    %dma_start3A_68 = tpu.memref_slice %arg6[%add3A_66] : memref<500000xf32, #tpu.memory_space<vmem_shared>> -> memref<3920xf32, #tpu.memory_space<vmem_shared>>
    tpu.enqueue_dma source(%arg9 : memref<3920xf32, #tpu.memory_space<vmem>>) target(%dma_start3A_68 : memref<3920xf32, #tpu.memory_space<vmem_shared>>) target_semaphore(%arg13 : memref<!tpu.dma_semaphore, #tpu.memory_space<semaphore_mem>>)
    %add3A_69 = arith.constant 7840 : i32
    %add3A_70 = arith.addi %min3A_61, %add3A_69 : i32
    %dma_start3A_71 = tpu.memref_slice %arg6[%add3A_70] : memref<500000xf32, #tpu.memory_space<vmem_shared>> -> memref<3920xf32, #tpu.memory_space<vmem_shared>>
    %dma_start3A_72 = tpu.memref_slice %arg6[%add3A_70] : memref<500000xf32, #tpu.memory_space<vmem_shared>> -> memref<3920xf32, #tpu.memory_space<vmem_shared>>
    tpu.enqueue_dma source(%arg9 : memref<3920xf32, #tpu.memory_space<vmem>>) target(%dma_start3A_72 : memref<3920xf32, #tpu.memory_space<vmem_shared>>) target_semaphore(%arg13 : memref<!tpu.dma_semaphore, #tpu.memory_space<semaphore_mem>>)
    %add3A_73 = arith.constant 11760 : i32
    %add3A_74 = arith.addi %min3A_61, %add3A_73 : i32
    %dma_start3A_75 = tpu.memref_slice %arg6[%add3A_74] : memref<500000xf32, #tpu.memory_space<vmem_shared>> -> memref<3920xf32, #tpu.memory_space<vmem_shared>>
    %dma_start3A_76 = tpu.memref_slice %arg6[%add3A_74] : memref<500000xf32, #tpu.memory_space<vmem_shared>> -> memref<3920xf32, #tpu.memory_space<vmem_shared>>
    tpu.enqueue_dma source(%arg9 : memref<3920xf32, #tpu.memory_space<vmem>>) target(%dma_start3A_76 : memref<3920xf32, #tpu.memory_space<vmem_shared>>) target_semaphore(%arg13 : memref<!tpu.dma_semaphore, #tpu.memory_space<semaphore_mem>>)
    %add3A_77 = arith.constant 15680 : i32
    %add3A_78 = arith.addi %min3A_61, %add3A_77 : i32
    %dma_start3A_79 = tpu.memref_slice %arg6[%add3A_78] : memref<500000xf32, #tpu.memory_space<vmem_shared>> -> memref<3920xf32, #tpu.memory_space<vmem_shared>>
    %dma_start3A_80 = tpu.memref_slice %arg6[%add3A_78] : memref<500000xf32, #tpu.memory_space<vmem_shared>> -> memref<3920xf32, #tpu.memory_space<vmem_shared>>
    tpu.enqueue_dma source(%arg9 : memref<3920xf32, #tpu.memory_space<vmem>>) target(%dma_start3A_80 : memref<3920xf32, #tpu.memory_space<vmem_shared>>) target_semaphore(%arg13 : memref<!tpu.dma_semaphore, #tpu.memory_space<semaphore_mem>>)
    %add3A_81 = arith.constant 19600 : i32
    %add3A_82 = arith.addi %min3A_61, %add3A_81 : i32
    %dma_start3A_83 = tpu.memref_slice %arg6[%add3A_82] : memref<500000xf32, #tpu.memory_space<vmem_shared>> -> memref<3920xf32, #tpu.memory_space<vmem_shared>>
    %dma_start3A_84 = tpu.memref_slice %arg6[%add3A_82] : memref<500000xf32, #tpu.memory_space<vmem_shared>> -> memref<3920xf32, #tpu.memory_space<vmem_shared>>
    tpu.enqueue_dma source(%arg9 : memref<3920xf32, #tpu.memory_space<vmem>>) target(%dma_start3A_84 : memref<3920xf32, #tpu.memory_space<vmem_shared>>) target_semaphore(%arg13 : memref<!tpu.dma_semaphore, #tpu.memory_space<semaphore_mem>>)
    %add3A_85 = arith.constant 23520 : i32
    %add3A_86 = arith.addi %min3A_61, %add3A_85 : i32
    %dma_start3A_87 = tpu.memref_slice %arg6[%add3A_86] : memref<500000xf32, #tpu.memory_space<vmem_shared>> -> memref<3920xf32, #tpu.memory_space<vmem_shared>>
    %dma_start3A_88 = tpu.memref_slice %arg6[%add3A_86] : memref<500000xf32, #tpu.memory_space<vmem_shared>> -> memref<3920xf32, #tpu.memory_space<vmem_shared>>
    tpu.enqueue_dma source(%arg9 : memref<3920xf32, #tpu.memory_space<vmem>>) target(%dma_start3A_88 : memref<3920xf32, #tpu.memory_space<vmem_shared>>) target_semaphore(%arg13 : memref<!tpu.dma_semaphore, #tpu.memory_space<semaphore_mem>>)
    %add3A_89 = arith.constant 27440 : i32
    %add3A_90 = arith.addi %min3A_61, %add3A_89 : i32
    %dma_start3A_91 = tpu.memref_slice %arg6[%add3A_90] : memref<500000xf32, #tpu.memory_space<vmem_shared>> -> memref<3920xf32, #tpu.memory_space<vmem_shared>>
    %dma_start3A_92 = tpu.memref_slice %arg6[%add3A_90] : memref<500000xf32, #tpu.memory_space<vmem_shared>> -> memref<3920xf32, #tpu.memory_space<vmem_shared>>
    tpu.enqueue_dma source(%arg9 : memref<3920xf32, #tpu.memory_space<vmem>>) target(%dma_start3A_92 : memref<3920xf32, #tpu.memory_space<vmem_shared>>) target_semaphore(%arg13 : memref<!tpu.dma_semaphore, #tpu.memory_space<semaphore_mem>>)
    %scan3A_93 = arith.constant 0 : i32
    %scan3A_94 = arith.constant 0 : i32
    %scan3A_95 = arith.constant 240 : i32
    %scan3A_96 = arith.addi %scan3A_94, %scan3A_95 : i32
    %scan3A_97 = arith.constant 8 : i32
    %scan3A_98 = scf.for %scan3A_300 = %scan3A_94 to %scan3A_96 step %scan3A_97 iter_args(%scan3A_301 = %scan3A_93) -> (i32)  : i32 {
      %mul3A_302 = arith.constant 16 : i32
      %mul3A_303 = arith.muli %scan3A_300, %mul3A_302 : i32
      %swap3A_304 = arith.index_cast %mul3A_303 : i32 to index
      %swap3A_305 = tpu.vector_load %arg10[%swap3A_304] {strides = array<i32>} : memref<3920xf32, #tpu.memory_space<vmem>>, vector<16xf32>,
      %swap3A_306 = vector.shape_cast %swap3A_305 : vector<16xf32> to vector<16xf32>
      %swap3A_307 = vector.shape_cast %broadcast_in_dim3A_7 : vector<16xf32> to vector<16xf32>
      tpu.vector_store %arg10[%swap3A_304], %swap3A_307 {strides = array<i32>} : memref<3920xf32, #tpu.memory_space<vmem>>, vector<16xf32>,
      %scan3A_308 = arith.constant 0 : i32
      %scan3A_309 = arith.constant 1 : i32
      %scan3A_310 = arith.addi %scan3A_300, %scan3A_309 : i32
      %mul3A_311 = arith.constant 16 : i32
      %mul3A_312 = arith.muli %scan3A_310, %mul3A_311 : i32
      %swap3A_313 = arith.index_cast %mul3A_312 : i32 to index
      %swap3A_314 = tpu.vector_load %arg10[%swap3A_313] {strides = array<i32>} : memref<3920xf32, #tpu.memory_space<vmem>>, vector<16xf32>,
      %swap3A_315 = vector.shape_cast %swap3A_314 : vector<16xf32> to vector<16xf32>
      %swap3A_316 = vector.shape_cast %broadcast_in_dim3A_7 : vector<16xf32> to vector<16xf32>
      tpu.vector_store %arg10[%swap3A_313], %swap3A_316 {strides = array<i32>} : memref<3920xf32, #tpu.memory_space<vmem>>, vector<16xf32>,
      %scan3A_317 = arith.constant 0 : i32
      %scan3A_318 = arith.constant 2 : i32
      %scan3A_319 = arith.addi %scan3A_300, %scan3A_318 : i32
      %mul3A_320 = arith.constant 16 : i32
      %mul3A_321 = arith.muli %scan3A_319, %mul3A_320 : i32
      %swap3A_322 = arith.index_cast %mul3A_321 : i32 to index
      %swap3A_323 = tpu.vector_load %arg10[%swap3A_322] {strides = array<i32>} : memref<3920xf32, #tpu.memory_space<vmem>>, vector<16xf32>,
      %swap3A_324 = vector.shape_cast %swap3A_323 : vector<16xf32> to vector<16xf32>
      %swap3A_325 = vector.shape_cast %broadcast_in_dim3A_7 : vector<16xf32> to vector<16xf32>
      tpu.vector_store %arg10[%swap3A_322], %swap3A_325 {strides = array<i32>} : memref<3920xf32, #tpu.memory_space<vmem>>, vector<16xf32>,
      %scan3A_326 = arith.constant 0 : i32
      %scan3A_327 = arith.constant 3 : i32
      %scan3A_328 = arith.addi %scan3A_300, %scan3A_327 : i32
      %mul3A_329 = arith.constant 16 : i32
      %mul3A_330 = arith.muli %scan3A_328, %mul3A_329 : i32
      %swap3A_331 = arith.index_cast %mul3A_330 : i32 to index
      %swap3A_332 = tpu.vector_load %arg10[%swap3A_331] {strides = array<i32>} : memref<3920xf32, #tpu.memory_space<vmem>>, vector<16xf32>,
      %swap3A_333 = vector.shape_cast %swap3A_332 : vector<16xf32> to vector<16xf32>
      %swap3A_334 = vector.shape_cast %broadcast_in_dim3A_7 : vector<16xf32> to vector<16xf32>
      tpu.vector_store %arg10[%swap3A_331], %swap3A_334 {strides = array<i32>} : memref<3920xf32, #tpu.memory_space<vmem>>, vector<16xf32>,
      %scan3A_335 = arith.constant 0 : i32
      %scan3A_336 = arith.constant 4 : i32
      %scan3A_337 = arith.addi %scan3A_300, %scan3A_336 : i32
      %mul3A_338 = arith.constant 16 : i32
      %mul3A_339 = arith.muli %scan3A_337, %mul3A_338 : i32
      %swap3A_340 = arith.index_cast %mul3A_339 : i32 to index
      %swap3A_341 = tpu.vector_load %arg10[%swap3A_340] {strides = array<i32>} : memref<3920xf32, #tpu.memory_space<vmem>>, vector<16xf32>,
      %swap3A_342 = vector.shape_cast %swap3A_341 : vector<16xf32> to vector<16xf32>
      %swap3A_343 = vector.shape_cast %broadcast_in_dim3A_7 : vector<16xf32> to vector<16xf32>
      tpu.vector_store %arg10[%swap3A_340], %swap3A_343 {strides = array<i32>} : memref<3920xf32, #tpu.memory_space<vmem>>, vector<16xf32>,
      %scan3A_344 = arith.constant 0 : i32
      %scan3A_345 = arith.constant 5 : i32
      %scan3A_346 = arith.addi %scan3A_300, %scan3A_345 : i32
      %mul3A_347 = arith.constant 16 : i32
      %mul3A_348 = arith.muli %scan3A_346, %mul3A_347 : i32
      %swap3A_349 = arith.index_cast %mul3A_348 : i32 to index
      %swap3A_350 = tpu.vector_load %arg10[%swap3A_349] {strides = array<i32>} : memref<3920xf32, #tpu.memory_space<vmem>>, vector<16xf32>,
      %swap3A_351 = vector.shape_cast %swap3A_350 : vector<16xf32> to vector<16xf32>
      %swap3A_352 = vector.shape_cast %broadcast_in_dim3A_7 : vector<16xf32> to vector<16xf32>
      tpu.vector_store %arg10[%swap3A_349], %swap3A_352 {strides = array<i32>} : memref<3920xf32, #tpu.memory_space<vmem>>, vector<16xf32>,
      %scan3A_353 = arith.constant 0 : i32
      %scan3A_354 = arith.constant 6 : i32
      %scan3A_355 = arith.addi %scan3A_300, %scan3A_354 : i32
      %mul3A_356 = arith.constant 16 : i32
      %mul3A_357 = arith.muli %scan3A_355, %mul3A_356 : i32
      %swap3A_358 = arith.index_cast %mul3A_357 : i32 to index
      %swap3A_359 = tpu.vector_load %arg10[%swap3A_358] {strides = array<i32>} : memref<3920xf32, #tpu.memory_space<vmem>>, vector<16xf32>,
      %swap3A_360 = vector.shape_cast %swap3A_359 : vector<16xf32> to vector<16xf32>
      %swap3A_361 = vector.shape_cast %broadcast_in_dim3A_7 : vector<16xf32> to vector<16xf32>
      tpu.vector_store %arg10[%swap3A_358], %swap3A_361 {strides = array<i32>} : memref<3920xf32, #tpu.memory_space<vmem>>, vector<16xf32>,
      %scan3A_362 = arith.constant 0 : i32
      %scan3A_363 = arith.constant 7 : i32
      %scan3A_364 = arith.addi %scan3A_300, %scan3A_363 : i32
      %mul3A_365 = arith.constant 16 : i32
      %mul3A_366 = arith.muli %scan3A_364, %mul3A_365 : i32
      %swap3A_367 = arith.index_cast %mul3A_366 : i32 to index
      %swap3A_368 = tpu.vector_load %arg10[%swap3A_367] {strides = array<i32>} : memref<3920xf32, #tpu.memory_space<vmem>>, vector<16xf32>,
      %swap3A_369 = vector.shape_cast %swap3A_368 : vector<16xf32> to vector<16xf32>
      %swap3A_370 = vector.shape_cast %broadcast_in_dim3A_7 : vector<16xf32> to vector<16xf32>
      tpu.vector_store %arg10[%swap3A_367], %swap3A_370 {strides = array<i32>} : memref<3920xf32, #tpu.memory_space<vmem>>, vector<16xf32>,
      %scan3A_371 = arith.constant 0 : i32
      scf.yield %scan3A_371 : i32
    }
    %scan3A_99 = arith.constant 240 : i32
    %scan3A_100 = arith.addi %scan3A_94, %scan3A_99 : i32
    %mul3A_101 = arith.constant 16 : i32
    %mul3A_102 = arith.muli %scan3A_100, %mul3A_101 : i32
    %swap3A_103 = arith.index_cast %mul3A_102 : i32 to index
    %swap3A_104 = tpu.vector_load %arg10[%swap3A_103] {strides = array<i32>} : memref<3920xf32, #tpu.memory_space<vmem>>, vector<16xf32>,
    %swap3A_105 = vector.shape_cast %swap3A_104 : vector<16xf32> to vector<16xf32>
    %swap3A_106 = vector.shape_cast %broadcast_in_dim3A_7 : vector<16xf32> to vector<16xf32>
    tpu.vector_store %arg10[%swap3A_103], %swap3A_106 {strides = array<i32>} : memref<3920xf32, #tpu.memory_space<vmem>>, vector<16xf32>,
    %scan3A_107 = arith.constant 0 : i32
    %scan3A_108 = arith.constant 241 : i32
    %scan3A_109 = arith.addi %scan3A_94, %scan3A_108 : i32
    %mul3A_110 = arith.constant 16 : i32
    %mul3A_111 = arith.muli %scan3A_109, %mul3A_110 : i32
    %swap3A_112 = arith.index_cast %mul3A_111 : i32 to index
    %swap3A_113 = tpu.vector_load %arg10[%swap3A_112] {strides = array<i32>} : memref<3920xf32, #tpu.memory_space<vmem>>, vector<16xf32>,
    %swap3A_114 = vector.shape_cast %swap3A_113 : vector<16xf32> to vector<16xf32>
    %swap3A_115 = vector.shape_cast %broadcast_in_dim3A_7 : vector<16xf32> to vector<16xf32>
    tpu.vector_store %arg10[%swap3A_112], %swap3A_115 {strides = array<i32>} : memref<3920xf32, #tpu.memory_space<vmem>>, vector<16xf32>,
    %scan3A_116 = arith.constant 0 : i32
    %scan3A_117 = arith.constant 242 : i32
    %scan3A_118 = arith.addi %scan3A_94, %scan3A_117 : i32
    %mul3A_119 = arith.constant 16 : i32
    %mul3A_120 = arith.muli %scan3A_118, %mul3A_119 : i32
    %swap3A_121 = arith.index_cast %mul3A_120 : i32 to index
    %swap3A_122 = tpu.vector_load %arg10[%swap3A_121] {strides = array<i32>} : memref<3920xf32, #tpu.memory_space<vmem>>, vector<16xf32>,
    %swap3A_123 = vector.shape_cast %swap3A_122 : vector<16xf32> to vector<16xf32>
    %swap3A_124 = vector.shape_cast %broadcast_in_dim3A_7 : vector<16xf32> to vector<16xf32>
    tpu.vector_store %arg10[%swap3A_121], %swap3A_124 {strides = array<i32>} : memref<3920xf32, #tpu.memory_space<vmem>>, vector<16xf32>,
    %scan3A_125 = arith.constant 0 : i32
    %scan3A_126 = arith.constant 243 : i32
    %scan3A_127 = arith.addi %scan3A_94, %scan3A_126 : i32
    %mul3A_128 = arith.constant 16 : i32
    %mul3A_129 = arith.muli %scan3A_127, %mul3A_128 : i32
    %swap3A_130 = arith.index_cast %mul3A_129 : i32 to index
    %swap3A_131 = tpu.vector_load %arg10[%swap3A_130] {strides = array<i32>} : memref<3920xf32, #tpu.memory_space<vmem>>, vector<16xf32>,
    %swap3A_132 = vector.shape_cast %swap3A_131 : vector<16xf32> to vector<16xf32>
    %swap3A_133 = vector.shape_cast %broadcast_in_dim3A_7 : vector<16xf32> to vector<16xf32>
    tpu.vector_store %arg10[%swap3A_130], %swap3A_133 {strides = array<i32>} : memref<3920xf32, #tpu.memory_space<vmem>>, vector<16xf32>,
    %scan3A_134 = arith.constant 0 : i32
    %scan3A_135 = arith.constant 244 : i32
    %scan3A_136 = arith.addi %scan3A_94, %scan3A_135 : i32
    %mul3A_137 = arith.constant 16 : i32
    %mul3A_138 = arith.muli %scan3A_136, %mul3A_137 : i32
    %swap3A_139 = arith.index_cast %mul3A_138 : i32 to index
    %swap3A_140 = tpu.vector_load %arg10[%swap3A_139] {strides = array<i32>} : memref<3920xf32, #tpu.memory_space<vmem>>, vector<16xf32>,
    %swap3A_141 = vector.shape_cast %swap3A_140 : vector<16xf32> to vector<16xf32>
    %swap3A_142 = vector.shape_cast %broadcast_in_dim3A_7 : vector<16xf32> to vector<16xf32>
    tpu.vector_store %arg10[%swap3A_139], %swap3A_142 {strides = array<i32>} : memref<3920xf32, #tpu.memory_space<vmem>>, vector<16xf32>,
    %scan3A_143 = arith.constant 0 : i32
    %scan3A_144 = arith.constant 245 : i32
    %scan3A_145 = arith.constant 0 : i32
    %scan3A_146 = arith.constant 0 : i32
    %scan3A_147 = arith.constant 984 : i32
    %scan3A_148 = arith.addi %scan3A_146, %scan3A_147 : i32
    %scan3A_149 = arith.constant 8 : i32
    %scan3A_150 = scf.for %scan3A_300 = %scan3A_146 to %scan3A_148 step %scan3A_149 iter_args(%scan3A_301 = %scan3A_145) -> (i32)  : i32 {
      %mul3A_302 = arith.constant 16 : i32
      %mul3A_303 = arith.muli %scan3A_300, %mul3A_302 : i32
      %swap3A_304 = arith.index_cast %mul3A_303 : i32 to index
      %swap3A_305 = tpu.vector_load %arg8[%swap3A_304] {strides = array<i32>} : memref<15744xf32, #tpu.memory_space<vmem>>, vector<16xf32>,
      %swap3A_306 = vector.shape_cast %swap3A_305 : vector<16xf32> to vector<16xf32>
      %swap3A_307 = vector.shape_cast %broadcast_in_dim3A_3 : vector<16xf32> to vector<16xf32>
      tpu.vector_store %arg8[%swap3A_304], %swap3A_307 {strides = array<i32>} : memref<15744xf32, #tpu.memory_space<vmem>>, vector<16xf32>,
      %scan3A_308 = arith.constant 0 : i32
      %scan3A_309 = arith.constant 1 : i32
      %scan3A_310 = arith.addi %scan3A_300, %scan3A_309 : i32
      %mul3A_311 = arith.constant 16 : i32
      %mul3A_312 = arith.muli %scan3A_310, %mul3A_311 : i32
      %swap3A_313 = arith.index_cast %mul3A_312 : i32 to index
      %swap3A_314 = tpu.vector_load %arg8[%swap3A_313] {strides = array<i32>} : memref<15744xf32, #tpu.memory_space<vmem>>, vector<16xf32>,
      %swap3A_315 = vector.shape_cast %swap3A_314 : vector<16xf32> to vector<16xf32>
      %swap3A_316 = vector.shape_cast %broadcast_in_dim3A_3 : vector<16xf32> to vector<16xf32>
      tpu.vector_store %arg8[%swap3A_313], %swap3A_316 {strides = array<i32>} : memref<15744xf32, #tpu.memory_space<vmem>>, vector<16xf32>,
      %scan3A_317 = arith.constant 0 : i32
      %scan3A_318 = arith.constant 2 : i32
      %scan3A_319 = arith.addi %scan3A_300, %scan3A_318 : i32
      %mul3A_320 = arith.constant 16 : i32
      %mul3A_321 = arith.muli %scan3A_319, %mul3A_320 : i32
      %swap3A_322 = arith.index_cast %mul3A_321 : i32 to index
      %swap3A_323 = tpu.vector_load %arg8[%swap3A_322] {strides = array<i32>} : memref<15744xf32, #tpu.memory_space<vmem>>, vector<16xf32>,
      %swap3A_324 = vector.shape_cast %swap3A_323 : vector<16xf32> to vector<16xf32>
      %swap3A_325 = vector.shape_cast %broadcast_in_dim3A_3 : vector<16xf32> to vector<16xf32>
      tpu.vector_store %arg8[%swap3A_322], %swap3A_325 {strides = array<i32>} : memref<15744xf32, #tpu.memory_space<vmem>>, vector<16xf32>,
      %scan3A_326 = arith.constant 0 : i32
      %scan3A_327 = arith.constant 3 : i32
      %scan3A_328 = arith.addi %scan3A_300, %scan3A_327 : i32
      %mul3A_329 = arith.constant 16 : i32
      %mul3A_330 = arith.muli %scan3A_328, %mul3A_329 : i32
      %swap3A_331 = arith.index_cast %mul3A_330 : i32 to index
      %swap3A_332 = tpu.vector_load %arg8[%swap3A_331] {strides = array<i32>} : memref<15744xf32, #tpu.memory_space<vmem>>, vector<16xf32>,
      %swap3A_333 = vector.shape_cast %swap3A_332 : vector<16xf32> to vector<16xf32>
      %swap3A_334 = vector.shape_cast %broadcast_in_dim3A_3 : vector<16xf32> to vector<16xf32>
      tpu.vector_store %arg8[%swap3A_331], %swap3A_334 {strides = array<i32>} : memref<15744xf32, #tpu.memory_space<vmem>>, vector<16xf32>,
      %scan3A_335 = arith.constant 0 : i32
      %scan3A_336 = arith.constant 4 : i32
      %scan3A_337 = arith.addi %scan3A_300, %scan3A_336 : i32
      %mul3A_338 = arith.constant 16 : i32
      %mul3A_339 = arith.muli %scan3A_337, %mul3A_338 : i32
      %swap3A_340 = arith.index_cast %mul3A_339 : i32 to index
      %swap3A_341 = tpu.vector_load %arg8[%swap3A_340] {strides = array<i32>} : memref<15744xf32, #tpu.memory_space<vmem>>, vector<16xf32>,
      %swap3A_342 = vector.shape_cast %swap3A_341 : vector<16xf32> to vector<16xf32>
      %swap3A_343 = vector.shape_cast %broadcast_in_dim3A_3 : vector<16xf32> to vector<16xf32>
      tpu.vector_store %arg8[%swap3A_340], %swap3A_343 {strides = array<i32>} : memref<15744xf32, #tpu.memory_space<vmem>>, vector<16xf32>,
      %scan3A_344 = arith.constant 0 : i32
      %scan3A_345 = arith.constant 5 : i32
      %scan3A_346 = arith.addi %scan3A_300, %scan3A_345 : i32
      %mul3A_347 = arith.constant 16 : i32
      %mul3A_348 = arith.muli %scan3A_346, %mul3A_347 : i32
      %swap3A_349 = arith.index_cast %mul3A_348 : i32 to index
      %swap3A_350 = tpu.vector_load %arg8[%swap3A_349] {strides = array<i32>} : memref<15744xf32, #tpu.memory_space<vmem>>, vector<16xf32>,
      %swap3A_351 = vector.shape_cast %swap3A_350 : vector<16xf32> to vector<16xf32>
      %swap3A_352 = vector.shape_cast %broadcast_in_dim3A_3 : vector<16xf32> to vector<16xf32>
      tpu.vector_store %arg8[%swap3A_349], %swap3A_352 {strides = array<i32>} : memref<15744xf32, #tpu.memory_space<vmem>>, vector<16xf32>,
      %scan3A_353 = arith.constant 0 : i32
      %scan3A_354 = arith.constant 6 : i32
      %scan3A_355 = arith.addi %scan3A_300, %scan3A_354 : i32
      %mul3A_356 = arith.constant 16 : i32
      %mul3A_357 = arith.muli %scan3A_355, %mul3A_356 : i32
      %swap3A_358 = arith.index_cast %mul3A_357 : i32 to index
      %swap3A_359 = tpu.vector_load %arg8[%swap3A_358] {strides = array<i32>} : memref<15744xf32, #tpu.memory_space<vmem>>, vector<16xf32>,
      %swap3A_360 = vector.shape_cast %swap3A_359 : vector<16xf32> to vector<16xf32>
      %swap3A_361 = vector.shape_cast %broadcast_in_dim3A_3 : vector<16xf32> to vector<16xf32>
      tpu.vector_store %arg8[%swap3A_358], %swap3A_361 {strides = array<i32>} : memref<15744xf32, #tpu.memory_space<vmem>>, vector<16xf32>,
      %scan3A_362 = arith.constant 0 : i32
      %scan3A_363 = arith.constant 7 : i32
      %scan3A_364 = arith.addi %scan3A_300, %scan3A_363 : i32
      %mul3A_365 = arith.constant 16 : i32
      %mul3A_366 = arith.muli %scan3A_364, %mul3A_365 : i32
      %swap3A_367 = arith.index_cast %mul3A_366 : i32 to index
      %swap3A_368 = tpu.vector_load %arg8[%swap3A_367] {strides = array<i32>} : memref<15744xf32, #tpu.memory_space<vmem>>, vector<16xf32>,
      %swap3A_369 = vector.shape_cast %swap3A_368 : vector<16xf32> to vector<16xf32>
      %swap3A_370 = vector.shape_cast %broadcast_in_dim3A_3 : vector<16xf32> to vector<16xf32>
      tpu.vector_store %arg8[%swap3A_367], %swap3A_370 {strides = array<i32>} : memref<15744xf32, #tpu.memory_space<vmem>>, vector<16xf32>,
      %scan3A_371 = arith.constant 0 : i32
      scf.yield %scan3A_371 : i32
    }
    %scan3A_151 = arith.constant 984 : i32
    %mul3A_152 = arith.constant 2 : i32
    %mul3A_153 = arith.muli %arg1, %mul3A_152 : i32
    %add3A_154 = arith.addi %mul3A_153, %arg0 : i32
    %mul3A_155 = arith.constant 15632 : i32
    %mul3A_156 = arith.muli %add3A_154, %mul3A_155 : i32
    %min3A_157 = arith.constant 484368 : i32
    %min3A_158 = arith.minsi %mul3A_156, %min3A_157 : i32
    %add3A_159 = arith.constant 0 : i32
    %add3A_160 = arith.addi %min3A_158, %add3A_159 : i32
    %dma_start3A_161 = arith.constant 0 : i32
    %dma_start3A_162 = tpu.memref_slice %arg10[%dma_start3A_161] : memref<3920xf32, #tpu.memory_space<vmem>> -> memref<3920xf32, #tpu.memory_space<vmem>>
    %dma_start3A_163 = tpu.memref_slice %arg3[%add3A_160] : memref<500000xf32, #tpu.memory_space<hbm>> -> memref<3920xf32, #tpu.memory_space<hbm>>
    %dma_start3A_164 = tpu.memref_slice %arg3[%add3A_160] : memref<500000xf32, #tpu.memory_space<hbm>> -> memref<3920xf32, #tpu.memory_space<hbm>>
    %dma_start3A_165 = arith.constant 0 : i32
    %dma_start3A_166 = tpu.memref_slice %arg10[%dma_start3A_165] : memref<3920xf32, #tpu.memory_space<vmem>> -> memref<3920xf32, #tpu.memory_space<vmem>>
    tpu.enqueue_dma source(%dma_start3A_166 : memref<3920xf32, #tpu.memory_space<vmem>>) target(%dma_start3A_164 : memref<3920xf32, #tpu.memory_space<hbm>>) target_semaphore(%arg15 : memref<!tpu.dma_semaphore, #tpu.memory_space<semaphore_mem>>)
    %add3A_167 = arith.constant 3920 : i32
    %add3A_168 = arith.addi %min3A_158, %add3A_167 : i32
    %dma_start3A_169 = arith.constant 0 : i32
    %dma_start3A_170 = tpu.memref_slice %arg10[%dma_start3A_169] : memref<3920xf32, #tpu.memory_space<vmem>> -> memref<3920xf32, #tpu.memory_space<vmem>>
    %dma_start3A_171 = tpu.memref_slice %arg3[%add3A_168] : memref<500000xf32, #tpu.memory_space<hbm>> -> memref<3920xf32, #tpu.memory_space<hbm>>
    %dma_start3A_172 = tpu.memref_slice %arg3[%add3A_168] : memref<500000xf32, #tpu.memory_space<hbm>> -> memref<3920xf32, #tpu.memory_space<hbm>>
    %dma_start3A_173 = arith.constant 0 : i32
    %dma_start3A_174 = tpu.memref_slice %arg10[%dma_start3A_173] : memref<3920xf32, #tpu.memory_space<vmem>> -> memref<3920xf32, #tpu.memory_space<vmem>>
    tpu.enqueue_dma source(%dma_start3A_174 : memref<3920xf32, #tpu.memory_space<vmem>>) target(%dma_start3A_172 : memref<3920xf32, #tpu.memory_space<hbm>>) target_semaphore(%arg15 : memref<!tpu.dma_semaphore, #tpu.memory_space<semaphore_mem>>)
    %add3A_175 = arith.constant 7840 : i32
    %add3A_176 = arith.addi %min3A_158, %add3A_175 : i32
    %dma_start3A_177 = arith.constant 0 : i32
    %dma_start3A_178 = tpu.memref_slice %arg10[%dma_start3A_177] : memref<3920xf32, #tpu.memory_space<vmem>> -> memref<3920xf32, #tpu.memory_space<vmem>>
    %dma_start3A_179 = tpu.memref_slice %arg3[%add3A_176] : memref<500000xf32, #tpu.memory_space<hbm>> -> memref<3920xf32, #tpu.memory_space<hbm>>
    %dma_start3A_180 = tpu.memref_slice %arg3[%add3A_176] : memref<500000xf32, #tpu.memory_space<hbm>> -> memref<3920xf32, #tpu.memory_space<hbm>>
    %dma_start3A_181 = arith.constant 0 : i32
    %dma_start3A_182 = tpu.memref_slice %arg10[%dma_start3A_181] : memref<3920xf32, #tpu.memory_space<vmem>> -> memref<3920xf32, #tpu.memory_space<vmem>>
    tpu.enqueue_dma source(%dma_start3A_182 : memref<3920xf32, #tpu.memory_space<vmem>>) target(%dma_start3A_180 : memref<3920xf32, #tpu.memory_space<hbm>>) target_semaphore(%arg15 : memref<!tpu.dma_semaphore, #tpu.memory_space<semaphore_mem>>)
    %add3A_183 = arith.constant 11760 : i32
    %add3A_184 = arith.addi %min3A_158, %add3A_183 : i32
    %dma_start3A_185 = arith.constant 0 : i32
    %dma_start3A_186 = tpu.memref_slice %arg10[%dma_start3A_185] : memref<3920xf32, #tpu.memory_space<vmem>> -> memref<3872xf32, #tpu.memory_space<vmem>>
    %dma_start3A_187 = tpu.memref_slice %arg3[%add3A_184] : memref<500000xf32, #tpu.memory_space<hbm>> -> memref<3872xf32, #tpu.memory_space<hbm>>
    %dma_start3A_188 = tpu.memref_slice %arg3[%add3A_184] : memref<500000xf32, #tpu.memory_space<hbm>> -> memref<3872xf32, #tpu.memory_space<hbm>>
    %dma_start3A_189 = arith.constant 0 : i32
    %dma_start3A_190 = tpu.memref_slice %arg10[%dma_start3A_189] : memref<3920xf32, #tpu.memory_space<vmem>> -> memref<3872xf32, #tpu.memory_space<vmem>>
    tpu.enqueue_dma source(%dma_start3A_190 : memref<3872xf32, #tpu.memory_space<vmem>>) target(%dma_start3A_188 : memref<3872xf32, #tpu.memory_space<hbm>>) target_semaphore(%arg15 : memref<!tpu.dma_semaphore, #tpu.memory_space<semaphore_mem>>)
    %dma_wait3A = tpu.memref_slice %arg6[%add3A_62] : memref<500000xf32, #tpu.memory_space<vmem_shared>> -> memref<3920xf32, #tpu.memory_space<vmem_shared>>
    %dma_wait3A_191 = tpu.memref_slice %arg6[%add3A_62] : memref<500000xf32, #tpu.memory_space<vmem_shared>> -> memref<3920xf32, #tpu.memory_space<vmem_shared>>
    tpu.wait_dma2 semaphore(%arg13 : memref<!tpu.dma_semaphore, #tpu.memory_space<semaphore_mem>>) src(%arg9 : memref<3920xf32, #tpu.memory_space<vmem>>) dst(%dma_wait3A_191 : memref<3920xf32, #tpu.memory_space<vmem_shared>>)
    %dma_wait3A_192 = tpu.memref_slice %arg6[%add3A_66] : memref<500000xf32, #tpu.memory_space<vmem_shared>> -> memref<3920xf32, #tpu.memory_space<vmem_shared>>
    %dma_wait3A_193 = tpu.memref_slice %arg6[%add3A_66] : memref<500000xf32, #tpu.memory_space<vmem_shared>> -> memref<3920xf32, #tpu.memory_space<vmem_shared>>
    tpu.wait_dma2 semaphore(%arg13 : memref<!tpu.dma_semaphore, #tpu.memory_space<semaphore_mem>>) src(%arg9 : memref<3920xf32, #tpu.memory_space<vmem>>) dst(%dma_wait3A_193 : memref<3920xf32, #tpu.memory_space<vmem_shared>>)
    %dma_wait3A_194 = tpu.memref_slice %arg6[%add3A_70] : memref<500000xf32, #tpu.memory_space<vmem_shared>> -> memref<3920xf32, #tpu.memory_space<vmem_shared>>
    %dma_wait3A_195 = tpu.memref_slice %arg6[%add3A_70] : memref<500000xf32, #tpu.memory_space<vmem_shared>> -> memref<3920xf32, #tpu.memory_space<vmem_shared>>
    tpu.wait_dma2 semaphore(%arg13 : memref<!tpu.dma_semaphore, #tpu.memory_space<semaphore_mem>>) src(%arg9 : memref<3920xf32, #tpu.memory_space<vmem>>) dst(%dma_wait3A_195 : memref<3920xf32, #tpu.memory_space<vmem_shared>>)
    %dma_wait3A_196 = tpu.memref_slice %arg6[%add3A_74] : memref<500000xf32, #tpu.memory_space<vmem_shared>> -> memref<3920xf32, #tpu.memory_space<vmem_shared>>
    %dma_wait3A_197 = tpu.memref_slice %arg6[%add3A_74] : memref<500000xf32, #tpu.memory_space<vmem_shared>> -> memref<3920xf32, #tpu.memory_space<vmem_shared>>
    tpu.wait_dma2 semaphore(%arg13 : memref<!tpu.dma_semaphore, #tpu.memory_space<semaphore_mem>>) src(%arg9 : memref<3920xf32, #tpu.memory_space<vmem>>) dst(%dma_wait3A_197 : memref<3920xf32, #tpu.memory_space<vmem_shared>>)
    %dma_wait3A_198 = tpu.memref_slice %arg6[%add3A_78] : memref<500000xf32, #tpu.memory_space<vmem_shared>> -> memref<3920xf32, #tpu.memory_space<vmem_shared>>
    %dma_wait3A_199 = tpu.memref_slice %arg6[%add3A_78] : memref<500000xf32, #tpu.memory_space<vmem_shared>> -> memref<3920xf32, #tpu.memory_space<vmem_shared>>
    tpu.wait_dma2 semaphore(%arg13 : memref<!tpu.dma_semaphore, #tpu.memory_space<semaphore_mem>>) src(%arg9 : memref<3920xf32, #tpu.memory_space<vmem>>) dst(%dma_wait3A_199 : memref<3920xf32, #tpu.memory_space<vmem_shared>>)
    %dma_wait3A_200 = tpu.memref_slice %arg6[%add3A_82] : memref<500000xf32, #tpu.memory_space<vmem_shared>> -> memref<3920xf32, #tpu.memory_space<vmem_shared>>
    %dma_wait3A_201 = tpu.memref_slice %arg6[%add3A_82] : memref<500000xf32, #tpu.memory_space<vmem_shared>> -> memref<3920xf32, #tpu.memory_space<vmem_shared>>
    tpu.wait_dma2 semaphore(%arg13 : memref<!tpu.dma_semaphore, #tpu.memory_space<semaphore_mem>>) src(%arg9 : memref<3920xf32, #tpu.memory_space<vmem>>) dst(%dma_wait3A_201 : memref<3920xf32, #tpu.memory_space<vmem_shared>>)
    %dma_wait3A_202 = tpu.memref_slice %arg6[%add3A_86] : memref<500000xf32, #tpu.memory_space<vmem_shared>> -> memref<3920xf32, #tpu.memory_space<vmem_shared>>
    %dma_wait3A_203 = tpu.memref_slice %arg6[%add3A_86] : memref<500000xf32, #tpu.memory_space<vmem_shared>> -> memref<3920xf32, #tpu.memory_space<vmem_shared>>
    tpu.wait_dma2 semaphore(%arg13 : memref<!tpu.dma_semaphore, #tpu.memory_space<semaphore_mem>>) src(%arg9 : memref<3920xf32, #tpu.memory_space<vmem>>) dst(%dma_wait3A_203 : memref<3920xf32, #tpu.memory_space<vmem_shared>>)
    %dma_wait3A_204 = tpu.memref_slice %arg6[%add3A_90] : memref<500000xf32, #tpu.memory_space<vmem_shared>> -> memref<3920xf32, #tpu.memory_space<vmem_shared>>
    %dma_wait3A_205 = tpu.memref_slice %arg6[%add3A_90] : memref<500000xf32, #tpu.memory_space<vmem_shared>> -> memref<3920xf32, #tpu.memory_space<vmem_shared>>
    tpu.wait_dma2 semaphore(%arg13 : memref<!tpu.dma_semaphore, #tpu.memory_space<semaphore_mem>>) src(%arg9 : memref<3920xf32, #tpu.memory_space<vmem>>) dst(%dma_wait3A_205 : memref<3920xf32, #tpu.memory_space<vmem_shared>>)
    %barrier3A = arith.constant 0 : index
    tpu.barrier barrier_id(%barrier3A)
    %barrier3A_206 = arith.constant 0 : index
    tpu.barrier barrier_id(%barrier3A_206)
    %dma_wait3A_207 = tpu.memref_slice %arg2[%min3A_1] : memref<500000xi32, #tpu.memory_space<hbm>> -> memref<15744xi32, #tpu.memory_space<hbm>>
    %dma_wait3A_208 = tpu.memref_slice %arg2[%min3A_1] : memref<500000xi32, #tpu.memory_space<hbm>> -> memref<15744xi32, #tpu.memory_space<hbm>>
    tpu.wait_dma2 semaphore(%arg12 : memref<!tpu.dma_semaphore, #tpu.memory_space<semaphore_mem>>) src(%dma_wait3A_208 : memref<15744xi32, #tpu.memory_space<hbm>>) dst(%arg7 : memref<15744xi32, #tpu.memory_space<vmem>>)
    %dma_start3A_209 = arith.constant 0 : i32
    %dma_start3A_210 = tpu.memref_slice %arg6[%dma_start3A_209] : memref<500000xf32, #tpu.memory_space<vmem_shared>> -> memref<500000xf32, #tpu.memory_space<vmem_shared>>
    tpu.enqueue_indirect_dma source(%arg8 : memref<15744xf32, #tpu.memory_space<vmem>>) target(%dma_start3A_210 : memref<500000xf32, #tpu.memory_space<vmem_shared>>) offsets(%arg7 : memref<15744xi32, #tpu.memory_space<vmem>>) semaphore(%arg14 : memref<!tpu.dma_semaphore, #tpu.memory_space<semaphore_mem>>)
    %dma_wait3A_211 = arith.constant 0 : i32
    %dma_wait3A_212 = tpu.memref_slice %arg6[%dma_wait3A_211] : memref<500000xf32, #tpu.memory_space<vmem_shared>> -> memref<500000xf32, #tpu.memory_space<vmem_shared>>
    tpu.wait_indirect_dma semaphore(%arg14 : memref<!tpu.dma_semaphore, #tpu.memory_space<semaphore_mem>>) src(%arg8 : memref<15744xf32, #tpu.memory_space<vmem>>) dst(%dma_wait3A_212 : memref<500000xf32, #tpu.memory_space<vmem_shared>>)
    %barrier3A_213 = arith.constant 0 : index
    tpu.barrier barrier_id(%barrier3A_213)
    %barrier3A_214 = arith.constant 0 : index
    tpu.barrier barrier_id(%barrier3A_214)
    %mul3A_215 = arith.constant 250000 : i32
    %mul3A_216 = arith.muli %arg0, %mul3A_215 : i32
    %mul3A_217 = arith.constant 15632 : i32
    %mul3A_218 = arith.muli %arg1, %mul3A_217 : i32
    %min3A_219 = arith.constant 234368 : i32
    %min3A_220 = arith.minsi %mul3A_218, %min3A_219 : i32
    %add3A_221 = arith.addi %mul3A_216, %min3A_220 : i32
    "tpu.region"() ({
      %run_scoped3A = tpu.sem_alloc : memref<!tpu.dma_semaphore, #tpu.memory_space<semaphore_mem>>
      %dma_start3A_300 = arith.constant 0 : i32
      %dma_start3A_301 = tpu.memref_slice %arg11[%dma_start3A_300] : memref<15632xf32, #tpu.memory_space<vmem>> -> memref<7816xf32, #tpu.memory_space<vmem>>
      %dma_start3A_302 = tpu.memref_slice %arg6[%add3A_221] : memref<500000xf32, #tpu.memory_space<vmem_shared>> -> memref<7816xf32, #tpu.memory_space<vmem_shared>>
      %dma_start3A_303 = arith.constant 0 : i32
      %dma_start3A_304 = tpu.memref_slice %arg11[%dma_start3A_303] : memref<15632xf32, #tpu.memory_space<vmem>> -> memref<7816xf32, #tpu.memory_space<vmem>>
      %dma_start3A_305 = tpu.memref_slice %arg6[%add3A_221] : memref<500000xf32, #tpu.memory_space<vmem_shared>> -> memref<7816xf32, #tpu.memory_space<vmem_shared>>
      tpu.enqueue_dma source(%dma_start3A_305 : memref<7816xf32, #tpu.memory_space<vmem_shared>>) target(%dma_start3A_304 : memref<7816xf32, #tpu.memory_space<vmem>>) target_semaphore(%run_scoped3A : memref<!tpu.dma_semaphore, #tpu.memory_space<semaphore_mem>>)
      %dma_wait3A_306 = arith.constant 0 : i32
      %dma_wait3A_307 = tpu.memref_slice %arg11[%dma_wait3A_306] : memref<15632xf32, #tpu.memory_space<vmem>> -> memref<7816xf32, #tpu.memory_space<vmem>>
      %dma_wait3A_308 = tpu.memref_slice %arg6[%add3A_221] : memref<500000xf32, #tpu.memory_space<vmem_shared>> -> memref<7816xf32, #tpu.memory_space<vmem_shared>>
      %dma_wait3A_309 = arith.constant 0 : i32
      %dma_wait3A_310 = tpu.memref_slice %arg11[%dma_wait3A_309] : memref<15632xf32, #tpu.memory_space<vmem>> -> memref<7816xf32, #tpu.memory_space<vmem>>
      %dma_wait3A_311 = tpu.memref_slice %arg6[%add3A_221] : memref<500000xf32, #tpu.memory_space<vmem_shared>> -> memref<7816xf32, #tpu.memory_space<vmem_shared>>
      tpu.wait_dma2 semaphore(%run_scoped3A : memref<!tpu.dma_semaphore, #tpu.memory_space<semaphore_mem>>) src(%dma_wait3A_311 : memref<7816xf32, #tpu.memory_space<vmem_shared>>) dst(%dma_wait3A_310 : memref<7816xf32, #tpu.memory_space<vmem>>)
      tpu.yield
    }) : () -> ()
    %dma_start3A_222 = arith.constant 0 : i32
    %dma_start3A_223 = tpu.memref_slice %arg11[%dma_start3A_222] : memref<15632xf32, #tpu.memory_space<vmem>> -> memref<7816xf32, #tpu.memory_space<vmem>>
    %dma_start3A_224 = tpu.memref_slice %arg5[%add3A_221] : memref<500000xf32, #tpu.memory_space<hbm>> -> memref<7816xf32, #tpu.memory_space<hbm>>
    %dma_start3A_225 = tpu.memref_slice %arg5[%add3A_221] : memref<500000xf32, #tpu.memory_space<hbm>> -> memref<7816xf32, #tpu.memory_space<hbm>>
    %dma_start3A_226 = arith.constant 0 : i32
    %dma_start3A_227 = tpu.memref_slice %arg11[%dma_start3A_226] : memref<15632xf32, #tpu.memory_space<vmem>> -> memref<7816xf32, #tpu.memory_space<vmem>>
    tpu.enqueue_dma source(%dma_start3A_227 : memref<7816xf32, #tpu.memory_space<vmem>>) target(%dma_start3A_225 : memref<7816xf32, #tpu.memory_space<hbm>>) target_semaphore(%arg16 : memref<!tpu.dma_semaphore, #tpu.memory_space<semaphore_mem>>)
    %dma_start3A_228 = arith.constant 0 : i32
    %dma_start3A_229 = tpu.memref_slice %arg11[%dma_start3A_228] : memref<15632xf32, #tpu.memory_space<vmem>> -> memref<7816xf32, #tpu.memory_space<vmem>>
    %dma_start3A_230 = tpu.memref_slice %arg4[%add3A_221] : memref<500000xf32, #tpu.memory_space<hbm>> -> memref<7816xf32, #tpu.memory_space<hbm>>
    %dma_start3A_231 = tpu.memref_slice %arg4[%add3A_221] : memref<500000xf32, #tpu.memory_space<hbm>> -> memref<7816xf32, #tpu.memory_space<hbm>>
    %dma_start3A_232 = arith.constant 0 : i32
    %dma_start3A_233 = tpu.memref_slice %arg11[%dma_start3A_232] : memref<15632xf32, #tpu.memory_space<vmem>> -> memref<7816xf32, #tpu.memory_space<vmem>>
    tpu.enqueue_dma source(%dma_start3A_233 : memref<7816xf32, #tpu.memory_space<vmem>>) target(%dma_start3A_231 : memref<7816xf32, #tpu.memory_space<hbm>>) target_semaphore(%arg17 : memref<!tpu.dma_semaphore, #tpu.memory_space<semaphore_mem>>)
    %add3A_234 = arith.constant 7816 : i32
    %add3A_235 = arith.addi %add3A_221, %add3A_234 : i32
    "tpu.region"() ({
      %run_scoped3A = tpu.sem_alloc : memref<!tpu.dma_semaphore, #tpu.memory_space<semaphore_mem>>
      %dma_start3A_300 = arith.constant 7816 : i32
      %dma_start3A_301 = tpu.memref_slice %arg11[%dma_start3A_300] : memref<15632xf32, #tpu.memory_space<vmem>> -> memref<7816xf32, #tpu.memory_space<vmem>>
      %dma_start3A_302 = tpu.memref_slice %arg6[%add3A_235] : memref<500000xf32, #tpu.memory_space<vmem_shared>> -> memref<7816xf32, #tpu.memory_space<vmem_shared>>
      %dma_start3A_303 = arith.constant 7816 : i32
      %dma_start3A_304 = tpu.memref_slice %arg11[%dma_start3A_303] : memref<15632xf32, #tpu.memory_space<vmem>> -> memref<7816xf32, #tpu.memory_space<vmem>>
      %dma_start3A_305 = tpu.memref_slice %arg6[%add3A_235] : memref<500000xf32, #tpu.memory_space<vmem_shared>> -> memref<7816xf32, #tpu.memory_space<vmem_shared>>
      tpu.enqueue_dma source(%dma_start3A_305 : memref<7816xf32, #tpu.memory_space<vmem_shared>>) target(%dma_start3A_304 : memref<7816xf32, #tpu.memory_space<vmem>>) target_semaphore(%run_scoped3A : memref<!tpu.dma_semaphore, #tpu.memory_space<semaphore_mem>>)
      %dma_wait3A_306 = arith.constant 7816 : i32
      %dma_wait3A_307 = tpu.memref_slice %arg11[%dma_wait3A_306] : memref<15632xf32, #tpu.memory_space<vmem>> -> memref<7816xf32, #tpu.memory_space<vmem>>
      %dma_wait3A_308 = tpu.memref_slice %arg6[%add3A_235] : memref<500000xf32, #tpu.memory_space<vmem_shared>> -> memref<7816xf32, #tpu.memory_space<vmem_shared>>
      %dma_wait3A_309 = arith.constant 7816 : i32
      %dma_wait3A_310 = tpu.memref_slice %arg11[%dma_wait3A_309] : memref<15632xf32, #tpu.memory_space<vmem>> -> memref<7816xf32, #tpu.memory_space<vmem>>
      %dma_wait3A_311 = tpu.memref_slice %arg6[%add3A_235] : memref<500000xf32, #tpu.memory_space<vmem_shared>> -> memref<7816xf32, #tpu.memory_space<vmem_shared>>
      tpu.wait_dma2 semaphore(%run_scoped3A : memref<!tpu.dma_semaphore, #tpu.memory_space<semaphore_mem>>) src(%dma_wait3A_311 : memref<7816xf32, #tpu.memory_space<vmem_shared>>) dst(%dma_wait3A_310 : memref<7816xf32, #tpu.memory_space<vmem>>)
      tpu.yield
    }) : () -> ()
    %add3A_236 = arith.constant 7816 : i32
    %add3A_237 = arith.addi %add3A_221, %add3A_236 : i32
    %dma_start3A_238 = arith.constant 7816 : i32
    %dma_start3A_239 = tpu.memref_slice %arg11[%dma_start3A_238] : memref<15632xf32, #tpu.memory_space<vmem>> -> memref<7816xf32, #tpu.memory_space<vmem>>
    %dma_start3A_240 = tpu.memref_slice %arg5[%add3A_237] : memref<500000xf32, #tpu.memory_space<hbm>> -> memref<7816xf32, #tpu.memory_space<hbm>>
    %dma_start3A_241 = tpu.memref_slice %arg5[%add3A_237] : memref<500000xf32, #tpu.memory_space<hbm>> -> memref<7816xf32, #tpu.memory_space<hbm>>
    %dma_start3A_242 = arith.constant 7816 : i32
    %dma_start3A_243 = tpu.memref_slice %arg11[%dma_start3A_242] : memref<15632xf32, #tpu.memory_space<vmem>> -> memref<7816xf32, #tpu.memory_space<vmem>>
    tpu.enqueue_dma source(%dma_start3A_243 : memref<7816xf32, #tpu.memory_space<vmem>>) target(%dma_start3A_241 : memref<7816xf32, #tpu.memory_space<hbm>>) target_semaphore(%arg16 : memref<!tpu.dma_semaphore, #tpu.memory_space<semaphore_mem>>)
    %add3A_244 = arith.constant 7816 : i32
    %add3A_245 = arith.addi %add3A_221, %add3A_244 : i32
    %dma_start3A_246 = arith.constant 7816 : i32
    %dma_start3A_247 = tpu.memref_slice %arg11[%dma_start3A_246] : memref<15632xf32, #tpu.memory_space<vmem>> -> memref<7816xf32, #tpu.memory_space<vmem>>
    %dma_start3A_248 = tpu.memref_slice %arg4[%add3A_245] : memref<500000xf32, #tpu.memory_space<hbm>> -> memref<7816xf32, #tpu.memory_space<hbm>>
    %dma_start3A_249 = tpu.memref_slice %arg4[%add3A_245] : memref<500000xf32, #tpu.memory_space<hbm>> -> memref<7816xf32, #tpu.memory_space<hbm>>
    %dma_start3A_250 = arith.constant 7816 : i32
    %dma_start3A_251 = tpu.memref_slice %arg11[%dma_start3A_250] : memref<15632xf32, #tpu.memory_space<vmem>> -> memref<7816xf32, #tpu.memory_space<vmem>>
    tpu.enqueue_dma source(%dma_start3A_251 : memref<7816xf32, #tpu.memory_space<vmem>>) target(%dma_start3A_249 : memref<7816xf32, #tpu.memory_space<hbm>>) target_semaphore(%arg17 : memref<!tpu.dma_semaphore, #tpu.memory_space<semaphore_mem>>)
    %dma_wait3A_252 = arith.constant 0 : i32
    %dma_wait3A_253 = tpu.memref_slice %arg10[%dma_wait3A_252] : memref<3920xf32, #tpu.memory_space<vmem>> -> memref<3920xf32, #tpu.memory_space<vmem>>
    %dma_wait3A_254 = tpu.memref_slice %arg3[%add3A_160] : memref<500000xf32, #tpu.memory_space<hbm>> -> memref<3920xf32, #tpu.memory_space<hbm>>
    %dma_wait3A_255 = tpu.memref_slice %arg3[%add3A_160] : memref<500000xf32, #tpu.memory_space<hbm>> -> memref<3920xf32, #tpu.memory_space<hbm>>
    %dma_wait3A_256 = arith.constant 0 : i32
    %dma_wait3A_257 = tpu.memref_slice %arg10[%dma_wait3A_256] : memref<3920xf32, #tpu.memory_space<vmem>> -> memref<3920xf32, #tpu.memory_space<vmem>>
    tpu.wait_dma2 semaphore(%arg15 : memref<!tpu.dma_semaphore, #tpu.memory_space<semaphore_mem>>) src(%dma_wait3A_257 : memref<3920xf32, #tpu.memory_space<vmem>>) dst(%dma_wait3A_255 : memref<3920xf32, #tpu.memory_space<hbm>>)
    %dma_wait3A_258 = arith.constant 0 : i32
    %dma_wait3A_259 = tpu.memref_slice %arg10[%dma_wait3A_258] : memref<3920xf32, #tpu.memory_space<vmem>> -> memref<3920xf32, #tpu.memory_space<vmem>>
    %dma_wait3A_260 = tpu.memref_slice %arg3[%add3A_168] : memref<500000xf32, #tpu.memory_space<hbm>> -> memref<3920xf32, #tpu.memory_space<hbm>>
    %dma_wait3A_261 = tpu.memref_slice %arg3[%add3A_168] : memref<500000xf32, #tpu.memory_space<hbm>> -> memref<3920xf32, #tpu.memory_space<hbm>>
    %dma_wait3A_262 = arith.constant 0 : i32
    %dma_wait3A_263 = tpu.memref_slice %arg10[%dma_wait3A_262] : memref<3920xf32, #tpu.memory_space<vmem>> -> memref<3920xf32, #tpu.memory_space<vmem>>
    tpu.wait_dma2 semaphore(%arg15 : memref<!tpu.dma_semaphore, #tpu.memory_space<semaphore_mem>>) src(%dma_wait3A_263 : memref<3920xf32, #tpu.memory_space<vmem>>) dst(%dma_wait3A_261 : memref<3920xf32, #tpu.memory_space<hbm>>)
    %dma_wait3A_264 = arith.constant 0 : i32
    %dma_wait3A_265 = tpu.memref_slice %arg10[%dma_wait3A_264] : memref<3920xf32, #tpu.memory_space<vmem>> -> memref<3920xf32, #tpu.memory_space<vmem>>
    %dma_wait3A_266 = tpu.memref_slice %arg3[%add3A_176] : memref<500000xf32, #tpu.memory_space<hbm>> -> memref<3920xf32, #tpu.memory_space<hbm>>
    %dma_wait3A_267 = tpu.memref_slice %arg3[%add3A_176] : memref<500000xf32, #tpu.memory_space<hbm>> -> memref<3920xf32, #tpu.memory_space<hbm>>
    %dma_wait3A_268 = arith.constant 0 : i32
    %dma_wait3A_269 = tpu.memref_slice %arg10[%dma_wait3A_268] : memref<3920xf32, #tpu.memory_space<vmem>> -> memref<3920xf32, #tpu.memory_space<vmem>>
    tpu.wait_dma2 semaphore(%arg15 : memref<!tpu.dma_semaphore, #tpu.memory_space<semaphore_mem>>) src(%dma_wait3A_269 : memref<3920xf32, #tpu.memory_space<vmem>>) dst(%dma_wait3A_267 : memref<3920xf32, #tpu.memory_space<hbm>>)
    %dma_wait3A_270 = arith.constant 0 : i32
    %dma_wait3A_271 = tpu.memref_slice %arg10[%dma_wait3A_270] : memref<3920xf32, #tpu.memory_space<vmem>> -> memref<3872xf32, #tpu.memory_space<vmem>>
    %dma_wait3A_272 = tpu.memref_slice %arg3[%add3A_184] : memref<500000xf32, #tpu.memory_space<hbm>> -> memref<3872xf32, #tpu.memory_space<hbm>>
    %dma_wait3A_273 = tpu.memref_slice %arg3[%add3A_184] : memref<500000xf32, #tpu.memory_space<hbm>> -> memref<3872xf32, #tpu.memory_space<hbm>>
    %dma_wait3A_274 = arith.constant 0 : i32
    %dma_wait3A_275 = tpu.memref_slice %arg10[%dma_wait3A_274] : memref<3920xf32, #tpu.memory_space<vmem>> -> memref<3872xf32, #tpu.memory_space<vmem>>
    tpu.wait_dma2 semaphore(%arg15 : memref<!tpu.dma_semaphore, #tpu.memory_space<semaphore_mem>>) src(%dma_wait3A_275 : memref<3872xf32, #tpu.memory_space<vmem>>) dst(%dma_wait3A_273 : memref<3872xf32, #tpu.memory_space<hbm>>)
    %dma_wait3A_276 = arith.constant 0 : i32
    %dma_wait3A_277 = tpu.memref_slice %arg11[%dma_wait3A_276] : memref<15632xf32, #tpu.memory_space<vmem>> -> memref<7816xf32, #tpu.memory_space<vmem>>
    %dma_wait3A_278 = tpu.memref_slice %arg5[%add3A_221] : memref<500000xf32, #tpu.memory_space<hbm>> -> memref<7816xf32, #tpu.memory_space<hbm>>
    %dma_wait3A_279 = tpu.memref_slice %arg5[%add3A_221] : memref<500000xf32, #tpu.memory_space<hbm>> -> memref<7816xf32, #tpu.memory_space<hbm>>
    %dma_wait3A_280 = arith.constant 0 : i32
    %dma_wait3A_281 = tpu.memref_slice %arg11[%dma_wait3A_280] : memref<15632xf32, #tpu.memory_space<vmem>> -> memref<7816xf32, #tpu.memory_space<vmem>>
    tpu.wait_dma2 semaphore(%arg16 : memref<!tpu.dma_semaphore, #tpu.memory_space<semaphore_mem>>) src(%dma_wait3A_281 : memref<7816xf32, #tpu.memory_space<vmem>>) dst(%dma_wait3A_279 : memref<7816xf32, #tpu.memory_space<hbm>>)
    %dma_wait3A_282 = arith.constant 0 : i32
    %dma_wait3A_283 = tpu.memref_slice %arg11[%dma_wait3A_282] : memref<15632xf32, #tpu.memory_space<vmem>> -> memref<7816xf32, #tpu.memory_space<vmem>>
    %dma_wait3A_284 = tpu.memref_slice %arg4[%add3A_221] : memref<500000xf32, #tpu.memory_space<hbm>> -> memref<7816xf32, #tpu.memory_space<hbm>>
    %dma_wait3A_285 = tpu.memref_slice %arg4[%add3A_221] : memref<500000xf32, #tpu.memory_space<hbm>> -> memref<7816xf32, #tpu.memory_space<hbm>>
    %dma_wait3A_286 = arith.constant 0 : i32
    %dma_wait3A_287 = tpu.memref_slice %arg11[%dma_wait3A_286] : memref<15632xf32, #tpu.memory_space<vmem>> -> memref<7816xf32, #tpu.memory_space<vmem>>
    tpu.wait_dma2 semaphore(%arg17 : memref<!tpu.dma_semaphore, #tpu.memory_space<semaphore_mem>>) src(%dma_wait3A_287 : memref<7816xf32, #tpu.memory_space<vmem>>) dst(%dma_wait3A_285 : memref<7816xf32, #tpu.memory_space<hbm>>)
    %dma_wait3A_288 = arith.constant 7816 : i32
    %dma_wait3A_289 = tpu.memref_slice %arg11[%dma_wait3A_288] : memref<15632xf32, #tpu.memory_space<vmem>> -> memref<7816xf32, #tpu.memory_space<vmem>>
    %dma_wait3A_290 = tpu.memref_slice %arg5[%add3A_237] : memref<500000xf32, #tpu.memory_space<hbm>> -> memref<7816xf32, #tpu.memory_space<hbm>>
    %dma_wait3A_291 = tpu.memref_slice %arg5[%add3A_237] : memref<500000xf32, #tpu.memory_space<hbm>> -> memref<7816xf32, #tpu.memory_space<hbm>>
    %dma_wait3A_292 = arith.constant 7816 : i32
    %dma_wait3A_293 = tpu.memref_slice %arg11[%dma_wait3A_292] : memref<15632xf32, #tpu.memory_space<vmem>> -> memref<7816xf32, #tpu.memory_space<vmem>>
    tpu.wait_dma2 semaphore(%arg16 : memref<!tpu.dma_semaphore, #tpu.memory_space<semaphore_mem>>) src(%dma_wait3A_293 : memref<7816xf32, #tpu.memory_space<vmem>>) dst(%dma_wait3A_291 : memref<7816xf32, #tpu.memory_space<hbm>>)
    %dma_wait3A_294 = arith.constant 7816 : i32
    %dma_wait3A_295 = tpu.memref_slice %arg11[%dma_wait3A_294] : memref<15632xf32, #tpu.memory_space<vmem>> -> memref<7816xf32, #tpu.memory_space<vmem>>
    %dma_wait3A_296 = tpu.memref_slice %arg4[%add3A_245] : memref<500000xf32, #tpu.memory_space<hbm>> -> memref<7816xf32, #tpu.memory_space<hbm>>
    %dma_wait3A_297 = tpu.memref_slice %arg4[%add3A_245] : memref<500000xf32, #tpu.memory_space<hbm>> -> memref<7816xf32, #tpu.memory_space<hbm>>
    %dma_wait3A_298 = arith.constant 7816 : i32
    %dma_wait3A_299 = tpu.memref_slice %arg11[%dma_wait3A_298] : memref<15632xf32, #tpu.memory_space<vmem>> -> memref<7816xf32, #tpu.memory_space<vmem>>
    tpu.wait_dma2 semaphore(%arg17 : memref<!tpu.dma_semaphore, #tpu.memory_space<semaphore_mem>>) src(%dma_wait3A_299 : memref<7816xf32, #tpu.memory_space<vmem>>) dst(%dma_wait3A_297 : memref<7816xf32, #tpu.memory_space<hbm>>)
    return
  }
}

</mosaic_0001>

<sc_bundles>
// kernel: kernel.3.cloned.1.call-start
scs
__scs_entry_jumppad:
0x0: {  	(pc) =	sbr.rel $0x88, $3  }
0x1: {  	(tag) =	ssettag $0x0;
	lr =	simm.s32 $0x1  }
0x2: {  	[smem:$0x3FA0] =	sst lr;
	_ =	strace $0xD0000000  }
0x3: {  	_ = 	snop  }
0x4: {  	_ = 	snop  }
0x5: {  	_ = 	snop  }
0x6: {  	_ = 	snop  }
0x7: {  	_ = 	snop  }
__scs_overlays_trampoline_lowered:
0x8: {  	[smem:$0x3FAF] =	sst s0  }
0x9: {  	[smem:$0x3FB0] =	sst s1  }
0xa: {  	[smem:$0x3FB1] =	sst s2  }
0xb: {  	[smem:$0x3FB2] =	sst s3  }
0xc: {  	[smem:$0x3FB3] =	sst s4  }
0xd: {  	[smem:$0x3FB4] =	sst s5  }
0xe: {  	[smem:$0x3FB5] =	sst s6  }
0xf: {  	[smem:$0x3FB6] =	sst s7  }
0x10: {  	[smem:$0x3FB7] =	sst s8  }
0x11: {  	[smem:$0x3FB8] =	sst s9;
	s0 =	simm.s32 @!p0 $0x0  }
0x12: {  	s1 =	sld [smem:$0x3F9E];
	s0 =	simm.s32 @p0 $0x1  }
0x13: {  	[smem:$0x3FB9] =	sst s0;
	s0 =	simm.s32 @!p1 $0x0  }
0x14: {  	s2 =	sld [smem:$0x3F9D];
	s0 =	simm.s32 @p1 $0x1  }
0x15: {  	[smem:$0x3FBA] =	sst s0;
	s0 =	simm.s32 @!p2 $0x0  }
0x16: {  	s3 =	sld [smem:$0x3FDB];
	s0 =	simm.s32 @p2 $0x1  }
0x17: {  	s4 =	simm.s32 $0x1BF5;
	[smem:$0x3FBC] =	sst s0  }
0x18: {  	s0 =	sld [smem:$0x3F9F];
	_ =	swait.ge [sflag:s4], $0x0  }
0x19: {  	s7 =	sld [smem:$0x3FA0]  }
0x1a: {  	s8 =	sadd.s32 $0xFFFFE003, lr  }
0x1b: {  	s9 =	sadd.s32 $0xFFFFFEF7, lr;
	s5 =	simm.s32 $0xFFFFFFFF;
	p2 =	slt.u32 s8, $0xFFFFF086  }
0x1c: {  	p1 =	slt.u32 s9, $0xF7A;
	s5 =	simm.s32 @!p2 $0x0  }
0x1d: {  	s5 =	simm.s32 @p1 $0x1;
	p0 =	seq.s32 s7, s2  }
0x1e: {  	s7 =	smul.u32 @!p0 $0xF7A, s2;
	p2 =	seq.s32 @!p0 s5, $0x0  }
0x1f: {  	s9 =	smul.u32 $0xF7A, s1;
	s8 =	simm.s32 @!p0 $0x1BF5;
	p2 =	por !p2, p0  }
0x20: {  	[sflag:s8] =	ssyncset.s32 @!p0 $0xFFFFF086;
	s6 =	sadd.s32 @!p0 s3, s7;
	s7 =	simm.s32 @!p0 $0x108  }
0x21: {  	s3 =	sadd.s32 s3, s9;
	s6 =	sadd.s32 @!p0 $0x88, s6;
	s7 =	simm.s32 @p2 $0x1082  }
0x22: {  	[simem:s7], [sflag:s8] =	dma.local @!p0 [hbm:s6], $0xF7A  }
0x23: {  	s9 =	sor.u32 $0xD0000000, s2;
	s6 =	simm.s32 $0x108;
	_ =	swait.ge @!p0 [sflag:s8], $0x0  }
0x24: {  	s3 =	sadd.s32 $0x88, s3;
	s6 =	simm.s32 @!p1 $0x1082;
	[sflag:s4] =	ssyncset.s32 $0xFFFFF086  }
0x25: {  	[simem:s6], [sflag:s4] =	dma.local [hbm:s3], $0xF7A  }
0x26: {  	[smem:$0x3FA0] =	sst s1;
	(tag) =	ssettag s2;
	_ =	strace s9  }
0x27: {  	s1 =	sld [smem:$0x3FB0]  }
0x28: {  	s2 =	sld [smem:$0x3FB1]  }
0x29: {  	s4 =	sld [smem:$0x3FB3]  }
0x2a: {  	p0 =	seq.s32 s5, $0x0;
	s5 =	sld [smem:$0x3FB4]  }
0x2b: {  	s6 =	sld [smem:$0x3FB5]  }
0x2c: {  	s7 =	sld [smem:$0x3FB6]  }
0x2d: {  	s3 =	simm.s32 $0x108;
	s8 =	sld [smem:$0x3FB7]  }
0x2e: {  	s3 =	simm.s32 @!p0 $0x1082;
	s9 =	sld [smem:$0x3FB8]  }
0x2f: {  	lr =	sadd.s32 s0, s3;
	s0 =	sld [smem:$0x3FAF]  }
0x30: {  	s3 =	sld [smem:$0x3FB2]  }
0x31: {  	[smem:$0x3FBB] =	sst s10  }
0x32: {  	s10 =	sld [smem:$0x3FB9];
	_ =	sdelay $0x3  }
0x33: {  	p0 =	seq.s32 s10, $0x1;
	s10 =	sld [smem:$0x3FBB];
	_ =	sdelay $0x3  }
0x34: {  	[smem:$0x3FBB] =	sst s10  }
0x35: {  	s10 =	sld [smem:$0x3FBA];
	_ =	sdelay $0x3  }
0x36: {  	p1 =	seq.s32 s10, $0x1;
	s10 =	sld [smem:$0x3FBB];
	_ =	sdelay $0x3  }
0x37: {  	[smem:$0x3FBB] =	sst s10  }
0x38: {  	s10 =	sld [smem:$0x3FBC]  }
0x39: {  	_ = 	snop;
	(pc) =	sbr.ind lr, $3  }
0x3a: {  	_ = 	snop  }
0x3b: {  	_ = 	snop  }
0x3c: {  	p2 =	seq.s32 s10, $0x1;
	s10 =	sld [smem:$0x3FBB]  }
0x3d: {  	_ =	shalt  }
0x3e: {  	_ =	shalt  }
0x3f: {  	_ =	shalt  }
0x40: {  	_ =	shalt  }
0x41: {  	_ =	shalt  }
0x42: {  	_ =	shalt  }
0x43: {  	_ =	shalt  }
0x44: {  	_ =	shalt  }
0x45: {  	_ =	shalt  }
0x46: {  	_ =	shalt  }
0x47: {  	_ =	shalt  }
0x48: {  	_ =	shalt  }
0x49: {  	_ =	shalt  }
0x4a: {  	_ =	shalt  }
0x4b: {  	_ =	shalt  }
0x4c: {  	_ =	shalt  }
0x4d: {  	_ =	shalt  }
0x4e: {  	_ =	shalt  }
0x4f: {  	_ =	shalt  }
0x50: {  	_ =	shalt  }
0x51: {  	_ =	shalt  }
0x52: {  	_ =	shalt  }
0x53: {  	_ =	shalt  }
0x54: {  	_ =	shalt  }
0x55: {  	_ =	shalt  }
0x56: {  	_ =	shalt  }
0x57: {  	_ =	shalt  }
0x58: {  	_ =	shalt  }
0x59: {  	_ =	shalt  }
0x5a: {  	_ =	shalt  }
0x5b: {  	_ =	shalt  }
0x5c: {  	_ =	shalt  }
0x5d: {  	_ =	shalt  }
0x5e: {  	_ =	shalt  }
0x5f: {  	_ =	shalt  }
0x60: {  	_ =	shalt  }
0x61: {  	_ =	shalt  }
0x62: {  	_ =	shalt  }
0x63: {  	_ =	shalt  }
0x64: {  	_ =	shalt  }
0x65: {  	_ =	shalt  }
0x66: {  	_ =	shalt  }
0x67: {  	_ =	shalt  }
0x68: {  	_ =	shalt  }
0x69: {  	_ =	shalt  }
0x6a: {  	_ =	shalt  }
0x6b: {  	_ =	shalt  }
0x6c: {  	_ =	shalt  }
0x6d: {  	_ =	shalt  }
0x6e: {  	_ =	shalt  }
0x6f: {  	_ =	shalt  }
0x70: {  	_ =	shalt  }
0x71: {  	_ =	shalt  }
0x72: {  	_ =	shalt  }
0x73: {  	_ =	shalt  }
0x74: {  	_ =	shalt  }
0x75: {  	_ =	shalt  }
0x76: {  	_ =	shalt  }
0x77: {  	_ =	shalt  }
0x78: {  	_ =	shalt  }
0x79: {  	_ =	shalt  }
0x7a: {  	_ =	shalt  }
0x7b: {  	_ =	shalt  }
0x7c: {  	_ =	shalt  }
0x7d: {  	_ =	shalt  }
0x7e: {  	_ =	shalt  }
0x7f: {  	_ =	shalt  }
0x80: {  	_ =	shalt  }
0x81: {  	_ =	shalt  }
0x82: {  	_ =	shalt  }
0x83: {  	_ =	shalt  }
0x84: {  	_ =	shalt  }
0x85: {  	_ =	shalt  }
0x86: {  	_ =	shalt  }
0x87: {  	_ =	shalt  }
.Lfunc_end0:
.L_simem_size_0:
called_computation_lowered:
.L_overlay_start_0:
0x88: {  	s2 =	sld [smem:$0x3FD9]  }
0x89: {  	s3 =	sld [smem:$0x3FFE];
	_ =	sdelay $0x1  }
0x8a: {  	s1 =	srdreg.scid  }
0x8b: {  	s0 =	sand.u32 $0x1, s1  }
0x8c: {  	s15 =	sshll.u32 s0, $0xA;
	s2 =	sadd.s32 s3, s2  }
0x8d: {  	s2 =	sadd.s32 s2, s15  }
0x8e: {  	[smem:$0x3FC7] =	sst s2  }
0x8f: {  	_ = 	snop  }
0x90: {  	s2 =	sld [smem:$0x3FD0];
	_ =	sdelay $0x2  }
0x91: {  	s4 =	simm.s32 $0xA;
	s5 =	simm.s32 $0x10;
	s16 =	sld [smem:$0x3FC9]  }
0x92: {  	[smem:s5], [sflag:s4] =	dma.local [hbm:s2], $0x1  }
0x93: {  	_ =	swait.eq [sflag:s4], $0x1  }
0x94: {  	s17 =	sld [smem:$0x10];
	[sflag:s4] =	ssyncset.done $0x0  }
0x95: {  	s18 =	sld [smem:$0x11];
	[sflag:s4] =	ssyncadd.s32 $0xFFFFFFFF  }
0x96: {  	s19 =	sld [smem:$0x12];
	(tm) =	ssettm $0x1  }
0x97: {  	s6 =	sld [smem:$0x3FFB];
	_ =	sdelay $0x3  }
0x98: {  	_ =	strace s6  }
0x99: {  	s6 =	sld [smem:$0x3FFC];
	_ =	sdelay $0x3  }
0x9a: {  	_ =	strace s6  }
0x9b: {  	s6 =	sld [smem:$0x3FFD];
	_ =	sdelay $0x3  }
0x9c: {  	_ =	strace s6  }
0x9d: {  	_ =	strace $0x8FFFFFFF  }
0x9e: {  	s20 =	sld [smem:$0x3FDB];
	_ =	sdelay $0x1  }
0x9f: {  	s7 =	simm.s32 $_scs_section_size  }
0xa0: {  	s8 =	simm.s32 $_size__tile_overlayer_lowered;
	s9 =	simm.s32 $_tile_overlayer_lowered  }
0xa1: {  	s23 =	simm.s32 $0x1BFF;
	s22 =	sshll.u32 s9, $0x1;
	s6 =	sadd.s32 s7, s20  }
0xa2: {  	s10 =	simm.s32 $0x0;
	s21 =	sshll.u32 s8, $0x1;
	s8 =	sadd.s32 s22, s6  }
0xa3: {  	[timem:s10], [sflag:s23] =	dma.local [hbm:s8], s21  }
0xa4: {  	_ =	swait.ge [sflag:s23], s21  }
0xa5: {  	s7 =	ssub.s32 $0x0, s21;
	[sflag:s23] =	ssyncset.done $0x0  }
0xa6: {  	[sflag:s23] =	ssyncadd.s32 s7;
	_ =	sdelay $0x1  }
0xa7: {  	s24 =	simm.s32 $0x1B8B  }
0xa8: {  	_ =	swait.ge [sflag:s24], $0x1  }
0xa9: {  	[sflag:s24] =	ssyncset.done $0x0  }
0xaa: {  	s25 =	simm.s32 $0x1B8E;
	[sflag:s24] =	ssyncadd.s32 $0xFFFFFFFF  }
0xab: {  	s26 =	simm.s32 $execute0_lowered;
	[smem:$0x3FD2] =	sst s25  }
0xac: {  	s7 =	sshll.u32 s26, $0x1;
	_ =	strace $0x80000046;
	[dreg:$0x1] =	wrdreg $0xFFFFFFFF  }
0xad: {  	s28 =	simm.s32 $_size_execute0_lowered;
	s6 =	sadd.s32 s6, s7;
	[dreg:$0x0] =	wrdreg $0x0  }
0xae: {  	s7 =	sshll.u32 s28, $0x1;
	[dreg:$0x2] =	wrdreg s6  }
0xaf: {  	[dreg:$0x3] =	wrdreg s7  }
0xb0: {  	[dreg:$0x4] =	wrdreg $0xC0  }
0xb1: {  	_ =	task [dreg:s10], $0x5FFFF  }
0xb2: {  	[dreg:$0x1] =	wrdreg $0xFFFFFFFF  }
0xb3: {  	[dreg:$0x0] =	wrdreg $0x60  }
0xb4: {  	[dreg:$0x2] =	wrdreg s16  }
0xb5: {  	[dreg:$0x3] =	wrdreg s17  }
0xb6: {  	[dreg:$0x4] =	wrdreg s18  }
0xb7: {  	[dreg:$0x5] =	wrdreg s19  }
0xb8: {  	[dreg:$0x6] =	wrdreg $0x0  }
0xb9: {  	[dreg:$0x7] =	wrdreg $0x9  }
0xba: {  	_ =	task.clear_ibuf [dreg:s10], $0x8FFFF;
	_ =	strace $0x90000046  }
0xbb: {  	s29 =	simm.s32 $0x9;
	_ =	strace $0x80000048  }
0xbc: {  	_ =	swait.ge [sflag:s29], $0x1  }
0xbd: {  	[sflag:s29] =	ssyncadd.s32 $0xFFFFFFFF  }
0xbe: {  	_ =	strace $0x90000048  }
0xbf: {  	_ =	sfence  }
0xc0: {  	s30 =	sld [smem:$0x0];
	_ =	sdelay $0x2  }
0xc1: {  	s31 =	sshll.u32 s1, $0xD;
	s1 =	sshrl.u32 s1, $0x2  }
0xc2: {  	s3 =	sand.u32 $0x4000, s31;
	s1 =	sadd.s32 s1, s30  }
0xc3: {  	s0 =	sor.u32 s3, s0;
	s1 =	sshll.u32 s1, $0x11  }
0xc4: {  	s0 =	sor.u32 s1, s0  }
0xc5: {  	s0 =	sadd.s32 $0x8F2B, s0  }
0xc6: {  	[sflag:s0] =	ssyncadd.remote.s32 $0x1  }
0xc7: {  	_ =	sfence.sel $0xFFFF  }
0xc8: {  	[dreg:$0x0] =	wrdreg $0xFFFFFFFF;
	(pc) =	sbr.abs _section_cstart, $3  }
0xc9: {  	[dreg:$0x1] =	wrdreg $0xFFFFFFFF  }
0xca: {  	_ =	task.clear_ibuf [dreg:s10], $0x2FFFF;
	_ =	strace $0x9FFFFFFF  }
0xcb: {  	(tm) =	ssettm $0x7FFFFFFF  }
tec
execute0_lowered:
.L_overlay_start_1:
0x0: {  	(tag) =	ssettag $0x1  }
0x1: {  	s0 =	rddreg [dreg:$0x0]  }
0x2: {  	s1 =	rddreg [dreg:$0x1]  }
0x3: {  	s2 =	rddreg [dreg:$0x2]  }
0x4: {  	s4 =	rddreg [dreg:$0x3]  }
0x5: {  	s20 =	rddreg [dreg:$0x4]  }
0x6: {  	s5 =	srdreg.scid;
	s3 =	simm.s32 $0x0;
	s10 =	stileid.u32  }
0x7: {  	s28 =	simm.s32 $0x2;
	s29 =	simm.s32 $0x1;
	s30 =	simm.s32 $0x132A0  }
0x8: {  	s31 =	simm.s32 $0x4;
	s6 =	sand.u32 $0x1, s5;
	s7 =	smul.u32 $0x3D80, s10  }
0x9: {  	[smem:$0x7FF] =	sst s3;
	s9 =	smul.u32 $0x7A80, s10;
	s17 =	sshll.u32 s10, $0x1  }
0xa: {  	s24 =	smul.u32 $0x3D10, s10;
	s10 =	simm.s32 $0xB798;
	s5 =	ssub.s32 $0x2, s6  }
0xb: {  	_ =	strace $0x80000047;
	s8 =	sshrl.u32 s5, $0x1;
	s16 =	smin.u32 s7, $0x39310  }
0xc: {  	s9 =	smin.u32 s9, $0x726A0;
	s7 =	sor.u32 s6, s17;
	s6 =	smul.u32 $0x3D090, s6  }
0xd: {  	s25 =	smin.u32 s24, $0x39380;
	s8 =	ssub.s32 s5, s8;
	s5 =	sshrl.u32 s16, $0x3  }
0xe: {  	s24 =	simm.s32 $0x7A18;
	s0 =	sadd.s32 s0, s5;
	s5 =	sadd.s32 s9, s20  }
0xf: {  	s18 =	smul.u32 $0x3D10, s7;
	[dreg:$0x6] =	wrdreg s0;
	s19 =	sadd.s32 $0xF50, s5  }
0x10: {  	s7 =	simm.s32 $0x0;
	s21 =	sadd.s32 $0x1EA0, s5;
	[dreg:$0x7] =	wrdreg s19  }
0x11: {  	s22 =	sadd.s32 $0x2DF0, s5;
	s23 =	sadd.s32 $0x3D40, s5;
	[dreg:$0x8] =	wrdreg s21  }
0x12: {  	s0 =	smin.u32 s18, $0x76410;
	s9 =	sadd.s32 $0x4C90, s5;
	[dreg:$0x9] =	wrdreg s22  }
0x13: {  	s11 =	sadd.s32 $0x5BE0, s5;
	s13 =	sadd.s32 $0x6B30, s5;
	[dreg:$0xa] =	wrdreg s23  }
0x14: {  	[dreg:$0xb] =	wrdreg s9;
	s0 =	sshrl.u32 s0, $0x3;
	s23 =	smax.u32 s8, $0x1  }
0x15: {  	s12 =	sadd.s32 s1, s0;
	s0 =	sadd.s32 s6, s25;
	s25 =	simm.s32 $0xF518  }
0x16: {  	s1 =	simm.s32 $0x11418;
	s6 =	simm.s32 $0x6;
	s14 =	sadd.s32 $0x1EA, s12  }
0x17: {  	s15 =	sadd.s32 $0x3D4, s12;
	s16 =	sadd.s32 $0x5BE, s12;
	s26 =	sshrl.u32 s0, $0x3  }
0x18: {  	s17 =	sadd.s32 s0, s20;
	s0 =	sadd.s32 $0x1E88, s0;
	s18 =	sadd.s32 s4, s26  }
0x19: {  	s19 =	sadd.s32 s2, s26;
	s20 =	sadd.s32 s0, s20;
	s0 =	sshrl.u32 s0, $0x3  }
0x1a: {  	s26 =	simm.s32 $0x10498;
	s21 =	sadd.s32 s4, s0;
	s22 =	sadd.s32 s2, s0  }
0x1b: {  	v0 =	vimm.f32 $0.0e+00;
	v1 =	vimm.f32 $5.000000000e-01;
	v2 =	vimm.f32 $1.000000000e+00;
	s0 =	simm.s32 $0x3;
	s2 =	simm.s32 $0x7;
	s4 =	simm.s32 $0x5  }
.LBB2_1:
0x1c: {  	s8 =	rddreg [dreg:$0x6]  }
0x1d: {  	[tilespmem:s24], [sflag:$0x1] =	stream.linear.gather [hbm4b:s8+s3], $0x3D80, $0x38;
	[tilespmem:$0x15198] =	vst v63  }
0x1e: {  	s8 =	simm.s32 $0xF558  }
0x1f: {  	[tilespmem:s8+$0xFFFFFFC0] =	vst v0  }
0x20: {  	[tilespmem:s8+$0x30] =	vst v0  }
0x21: {  	[tilespmem:s8+$0x20] =	vst v0  }
0x22: {  	[tilespmem:s8+$0x10] =	vst v0  }
0x23: {  	[tilespmem:s8+$0x0] =	vst v0  }
0x24: {  	[tilespmem:s8+$0xFFFFFFF0] =	vst v0  }
0x25: {  	s9 =	simm.s32 $0x0;
	[tilespmem:s8+$0xFFFFFFE0] =	vst v0  }
.LBB2_2:
0x26: {  	s9 =	sadd.s32 $0x8, s9;
	[tilespmem:s8+$0xFFFFFFD0] =	vst v0;
	s8 =	sadd.s32 $0x80, s8  }
0x27: {  	[tilespmem:s8+$0xFFFFFFC0] =	vst v0;
	p0 =	slt.u32 s9, $0xE8  }
0x28: {  	[tilespmem:s8+$0x30] =	vst v0  }
.Ltmp0:
0x29: {  	[tilespmem:s8+$0x20] =	vst v0;
	(pc) =	sbr.rel @p0 .LBB2_2-.Ltmp0, $4  }
0x2a: {  	[tilespmem:s8+$0x10] =	vst v0  }
0x2b: {  	[tilespmem:s8+$0x0] =	vst v0  }
0x2c: {  	[tilespmem:s8+$0xFFFFFFF0] =	vst v0  }
0x2d: {  	[tilespmem:s8+$0xFFFFFFE0] =	vst v0  }
0x2e: {  	[tilespmem:s8+$0xFFFFFFD0] =	vst v0  }
0x2f: {  	[tilespmem:$0x10418] =	vst v0  }
0x30: {  	[tilespmem:$0x10428] =	vst v0  }
0x31: {  	[tilespmem:$0x10438] =	vst v0  }
0x32: {  	[tilespmem:$0x10448] =	vst v0  }
0x33: {  	[tilespmem:$0x10458] =	vst v0  }
0x34: {  	[spmem:s5] =	stream.linear.scatter [tilespmem:s25], [sflag:$0x2], $0xF50, $0x38;
	[tilespmem:$0x15198] =	vst v63  }
0x35: {  	s9 =	rddreg [dreg:$0x7]  }
0x36: {  	[spmem:s9] =	stream.linear.scatter [tilespmem:s25], [sflag:$0x2], $0xF50, $0x38;
	[tilespmem:$0x15198] =	vst v63  }
0x37: {  	s9 =	rddreg [dreg:$0x8]  }
0x38: {  	[spmem:s9] =	stream.linear.scatter [tilespmem:s25], [sflag:$0x2], $0xF50, $0x38;
	[tilespmem:$0x15198] =	vst v63  }
0x39: {  	s9 =	rddreg [dreg:$0x9]  }
0x3a: {  	[spmem:s9] =	stream.linear.scatter [tilespmem:s25], [sflag:$0x2], $0xF50, $0x38;
	[tilespmem:$0x15198] =	vst v63  }
0x3b: {  	s9 =	rddreg [dreg:$0xa]  }
0x3c: {  	[spmem:s9] =	stream.linear.scatter [tilespmem:s25], [sflag:$0x2], $0xF50, $0x38;
	[tilespmem:$0x15198] =	vst v63  }
0x3d: {  	s9 =	rddreg [dreg:$0xb]  }
0x3e: {  	[spmem:s9] =	stream.linear.scatter [tilespmem:s25], [sflag:$0x2], $0xF50, $0x38;
	[tilespmem:$0x15198] =	vst v63  }
0x3f: {  	_ = 	snop  }
0x40: {  	[spmem:s11] =	stream.linear.scatter [tilespmem:s25], [sflag:$0x2], $0xF50, $0x38;
	[tilespmem:$0x15198] =	vst v63  }
0x41: {  	s8 =	simm.s32 $0x104D8  }
0x42: {  	[spmem:s13] =	stream.linear.scatter [tilespmem:s25], [sflag:$0x2], $0xF50, $0x38;
	[tilespmem:$0x15198] =	vst v63  }
0x43: {  	[tilespmem:s8+$0xFFFFFFC0] =	vst v1  }
0x44: {  	[tilespmem:s8+$0x30] =	vst v1  }
0x45: {  	[tilespmem:s8+$0x20] =	vst v1  }
0x46: {  	[tilespmem:s8+$0x10] =	vst v1  }
0x47: {  	[tilespmem:s8+$0x0] =	vst v1  }
0x48: {  	[tilespmem:s8+$0xFFFFFFF0] =	vst v1  }
0x49: {  	s9 =	simm.s32 $0x0;
	[tilespmem:s8+$0xFFFFFFE0] =	vst v1  }
.LBB2_4:
0x4a: {  	s9 =	sadd.s32 $0x8, s9;
	[tilespmem:s8+$0xFFFFFFD0] =	vst v1;
	s8 =	sadd.s32 $0x80, s8  }
0x4b: {  	[tilespmem:s8+$0xFFFFFFC0] =	vst v1;
	p0 =	slt.u32 s9, $0xE8  }
0x4c: {  	[tilespmem:s8+$0x30] =	vst v1  }
.Ltmp1:
0x4d: {  	[tilespmem:s8+$0x20] =	vst v1;
	(pc) =	sbr.rel @p0 .LBB2_4-.Ltmp1, $4  }
0x4e: {  	[tilespmem:s8+$0x10] =	vst v1  }
0x4f: {  	[tilespmem:s8+$0x0] =	vst v1  }
0x50: {  	[tilespmem:s8+$0xFFFFFFF0] =	vst v1  }
0x51: {  	[tilespmem:s8+$0xFFFFFFE0] =	vst v1  }
0x52: {  	[tilespmem:s8+$0xFFFFFFD0] =	vst v1  }
0x53: {  	[tilespmem:$0x11398] =	vst v1  }
0x54: {  	[tilespmem:$0x113A8] =	vst v1  }
0x55: {  	[tilespmem:$0x113B8] =	vst v1  }
0x56: {  	[tilespmem:$0x113C8] =	vst v1  }
0x57: {  	s8 =	simm.s32 $0xB7D8;
	[tilespmem:$0x113D8] =	vst v1  }
0x58: {  	[tilespmem:s8+$0xFFFFFFC0] =	vst v2  }
0x59: {  	[tilespmem:s8+$0x30] =	vst v2  }
0x5a: {  	[tilespmem:s8+$0x20] =	vst v2  }
0x5b: {  	[tilespmem:s8+$0x10] =	vst v2  }
0x5c: {  	[tilespmem:s8+$0x0] =	vst v2  }
0x5d: {  	[tilespmem:s8+$0xFFFFFFF0] =	vst v2  }
0x5e: {  	s9 =	simm.s32 $0x0;
	[tilespmem:s8+$0xFFFFFFE0] =	vst v2  }
.LBB2_6:
0x5f: {  	s9 =	sadd.s32 $0x8, s9;
	[tilespmem:s8+$0xFFFFFFD0] =	vst v2;
	s8 =	sadd.s32 $0x80, s8  }
0x60: {  	[tilespmem:s8+$0xFFFFFFC0] =	vst v2;
	p0 =	slt.u32 s9, $0x3D0  }
0x61: {  	[tilespmem:s8+$0x30] =	vst v2  }
.Ltmp2:
0x62: {  	[tilespmem:s8+$0x20] =	vst v2;
	(pc) =	sbr.rel @p0 .LBB2_6-.Ltmp2, $4  }
0x63: {  	[tilespmem:s8+$0x10] =	vst v2  }
0x64: {  	[tilespmem:s8+$0x0] =	vst v2  }
0x65: {  	[tilespmem:s8+$0xFFFFFFF0] =	vst v2  }
0x66: {  	[tilespmem:s8+$0xFFFFFFE0] =	vst v2  }
0x67: {  	[tilespmem:s8+$0xFFFFFFD0] =	vst v2  }
0x68: {  	[hbm4b:s12+s3] =	stream.linear.scatter [tilespmem:s26], [sflag:$0x4], $0xF50, $0x38;
	[tilespmem:$0x15198] =	vst v63  }
0x69: {  	_ = 	snop  }
0x6a: {  	[hbm4b:s14+s3] =	stream.linear.scatter [tilespmem:s26], [sflag:$0x4], $0xF50, $0x38;
	[tilespmem:$0x15198] =	vst v63  }
0x6b: {  	_ = 	snop  }
0x6c: {  	[hbm4b:s15+s3] =	stream.linear.scatter [tilespmem:s26], [sflag:$0x4], $0xF50, $0x38;
	[tilespmem:$0x15198] =	vst v63  }
0x6d: {  	_ = 	snop  }
0x6e: {  	[hbm4b:s16+s3] =	stream.linear.scatter [tilespmem:s26], [sflag:$0x4], $0xF20, $0x38;
	[tilespmem:$0x15198] =	vst v63  }
0x6f: {  	_ =	swait.ge [sflag:s28], $0xF50  }
0x70: {  	[sflag:s28] =	ssyncset.done $0x0  }
0x71: {  	[sflag:s28] =	ssyncadd.s32 $0xFFFFF0B0  }
0x72: {  	_ =	swait.ge [sflag:s28], $0xF50  }
0x73: {  	[sflag:s28] =	ssyncset.done $0x0  }
0x74: {  	[sflag:s28] =	ssyncadd.s32 $0xFFFFF0B0  }
0x75: {  	_ =	swait.ge [sflag:s28], $0xF50  }
0x76: {  	[sflag:s28] =	ssyncset.done $0x0  }
0x77: {  	[sflag:s28] =	ssyncadd.s32 $0xFFFFF0B0  }
0x78: {  	_ =	swait.ge [sflag:s28], $0xF50  }
0x79: {  	[sflag:s28] =	ssyncset.done $0x0  }
0x7a: {  	[sflag:s28] =	ssyncadd.s32 $0xFFFFF0B0  }
0x7b: {  	_ =	swait.ge [sflag:s28], $0xF50  }
0x7c: {  	[sflag:s28] =	ssyncset.done $0x0  }
0x7d: {  	[sflag:s28] =	ssyncadd.s32 $0xFFFFF0B0  }
0x7e: {  	_ =	swait.ge [sflag:s28], $0xF50  }
0x7f: {  	[sflag:s28] =	ssyncset.done $0x0  }
0x80: {  	[sflag:s28] =	ssyncadd.s32 $0xFFFFF0B0  }
0x81: {  	_ =	swait.ge [sflag:s28], $0xF50  }
0x82: {  	[sflag:s28] =	ssyncset.done $0x0  }
0x83: {  	[sflag:s28] =	ssyncadd.s32 $0xFFFFF0B0  }
0x84: {  	_ =	swait.ge [sflag:s28], $0xF50  }
0x85: {  	[sflag:s28] =	ssyncset.done $0x0  }
0x86: {  	[sflag:s28] =	ssyncadd.s32 $0xFFFFF0B0  }
0x87: {  	[bflag:$0x0] =	sbarrier.arrive $0xFFFF  }
0x88: {  	[bflag:$0x0] =	sbarrier.arrive $0xFFFF  }
0x89: {  	_ =	swait.ge [sflag:s29], $0x3D80  }
0x8a: {  	[sflag:s29] =	ssyncset.done $0x0  }
0x8b: {  	[sflag:s29] =	ssyncadd.s32 $0xFFFFC280  }
0x8c: {  	s9 =	simm.s32 $0x3D80;
	s8 =	rddreg [dreg:$0x4]  }
0x8d: {  	[spmem:s8] =	stream.indirect.scatter [tilespmem:s10], [sflag:$0x3], $0x1, s24, s9, $0xb8;
	[tilespmem:$0x15198] =	vst v63  }
0x8e: {  	_ =	swait.ge [sflag:s0], $0x3D80  }
0x8f: {  	[sflag:s0] =	ssyncset.done $0x0  }
0x90: {  	[sflag:s0] =	ssyncadd.s32 $0xFFFFC280  }
0x91: {  	[bflag:$0x0] =	sbarrier.arrive $0xFFFF  }
0x92: {  	[bflag:$0x0] =	sbarrier.arrive $0xFFFF  }
0x93: {  	[tilespmem:s1], [sflag:$0x7] =	stream.linear.gather [spmem:s17], $0x1E88, $0x38;
	[tilespmem:$0x15198] =	vst v63  }
0x94: {  	_ =	swait.ge [sflag:s2], $0x1E88  }
0x95: {  	[sflag:s2] =	ssyncset.done $0x0  }
0x96: {  	[sflag:s2] =	ssyncadd.s32 $0xFFFFE178  }
0x97: {  	[hbm4b:s18+s3] =	stream.linear.scatter [tilespmem:s1], [sflag:$0x5], $0x1E88, $0x38;
	[tilespmem:$0x15198] =	vst v63  }
0x98: {  	_ = 	snop  }
0x99: {  	[hbm4b:s19+s3] =	stream.linear.scatter [tilespmem:s1], [sflag:$0x6], $0x1E88, $0x38;
	[tilespmem:$0x15198] =	vst v63  }
0x9a: {  	_ = 	snop  }
0x9b: {  	[tilespmem:s30], [sflag:$0x7] =	stream.linear.gather [spmem:s20], $0x1E88, $0x38;
	[tilespmem:$0x15198] =	vst v63  }
0x9c: {  	_ =	swait.ge [sflag:s2], $0x1E88  }
0x9d: {  	[sflag:s2] =	ssyncset.done $0x0  }
0x9e: {  	[sflag:s2] =	ssyncadd.s32 $0xFFFFE178  }
0x9f: {  	[hbm4b:s21+s3] =	stream.linear.scatter [tilespmem:s30], [sflag:$0x5], $0x1E88, $0x38;
	[tilespmem:$0x15198] =	vst v63  }
0xa0: {  	_ = 	snop  }
0xa1: {  	[hbm4b:s22+s3] =	stream.linear.scatter [tilespmem:s30], [sflag:$0x6], $0x1E88, $0x38;
	[tilespmem:$0x15198] =	vst v63  }
0xa2: {  	_ =	swait.ge [sflag:s31], $0xF50  }
0xa3: {  	[sflag:s31] =	ssyncset.done $0x0  }
0xa4: {  	[sflag:s31] =	ssyncadd.s32 $0xFFFFF0B0  }
0xa5: {  	_ =	swait.ge [sflag:s31], $0xF50  }
0xa6: {  	[sflag:s31] =	ssyncset.done $0x0  }
0xa7: {  	[sflag:s31] =	ssyncadd.s32 $0xFFFFF0B0  }
0xa8: {  	_ =	swait.ge [sflag:s31], $0xF50  }
0xa9: {  	[sflag:s31] =	ssyncset.done $0x0  }
0xaa: {  	[sflag:s31] =	ssyncadd.s32 $0xFFFFF0B0  }
0xab: {  	_ =	swait.ge [sflag:s31], $0xF20  }
0xac: {  	[sflag:s31] =	ssyncset.done $0x0  }
0xad: {  	[sflag:s31] =	ssyncadd.s32 $0xFFFFF0E0  }
0xae: {  	_ =	swait.ge [sflag:s4], $0x1E88  }
0xaf: {  	[sflag:s4] =	ssyncset.done $0x0  }
0xb0: {  	[sflag:s4] =	ssyncadd.s32 $0xFFFFE178  }
0xb1: {  	_ =	swait.ge [sflag:s6], $0x1E88  }
0xb2: {  	[sflag:s6] =	ssyncset.done $0x0  }
0xb3: {  	s7 =	sadd.s32 $0x1, s7;
	[sflag:s6] =	ssyncadd.s32 $0xFFFFE178  }
0xb4: {  	p0 =	sne.s32 s7, s23;
	_ =	swait.ge [sflag:s4], $0x1E88  }
.Ltmp3:
0xb5: {  	[sflag:s4] =	ssyncset.done $0x0;
	(pc) =	sbr.rel @p0 .LBB2_1-.Ltmp3, $4  }
0xb6: {  	[sflag:s4] =	ssyncadd.s32 $0xFFFFE178  }
0xb7: {  	_ =	swait.ge [sflag:s6], $0x1E88  }
0xb8: {  	[sflag:s6] =	ssyncset.done $0x0  }
0xb9: {  	[sflag:s6] =	ssyncadd.s32 $0xFFFFE178  }
0xba: {  	_ =	sfence.sel $0x180000  }
0xbb: {  	[bflag:$0x0] =	sbarrier.arrive $0xFFFF  }
0xbc: {  	_ =	strace $0x90000047  }
0xbd: {  	s0 =	stileid.u32;
	[bflag:$0x2] =	sbarrier.arrive $0xFFFF  }
0xbe: {  	p0 =	sne.s32 s0, $0x0;
	s0 =	rddreg [dreg:$0x5]  }
0xbf: {  	s0 =	sadd.s32 @!p0 $0x100000, s0  }
0xc0: {  	[sflag:s0] =	ssyncadd.tile.s32 @!p0 $0x1;
	_ =	shalt  }
.Lfunc_end2:
_tile_overlayer_lowered:
.L_overlay_start_2:
0xc1: {  	(tag) =	ssettag $0x2  }
0xc2: {  	s0 =	rddreg [dreg:$0x0];
	s2 =	stileid.u32  }
0xc3: {  	s1 =	rddreg [dreg:$0x1];
	p0 =	sne.s32 s2, $0x0  }
0xc4: {  	s3 =	rddreg [dreg:$0x2];
	[bflag:$0x3] =	sbarrier.arrive $0xFFFF;
	s2 =	simm.s32 @!p0 $0x1C07  }
0xc5: {  	[timem:s3], [sflag:s2] =	dma.local @!p0 [hbm:s0], s1  }
0xc6: {  	s0 =	simm.s32 @!p0 $0x7  }
0xc7: {  	_ =	swait.ge @!p0 [sflag:s0], s1  }
0xc8: {  	s1 =	ssub.s32 @!p0 $0x0, s1;
	[sflag:s0] =	ssyncset.done @!p0 $0x0  }
0xc9: {  	[sflag:s0] =	ssyncadd.s32 @!p0 s1  }
0xca: {  	[bflag:$0x3] =	sbarrier.arrive $0xFFFF  }
0xcb: {  	_ =	shalt  }

</sc_bundles>
